<compile_context>
chip_gen: v7x
topology: tpu7x:2x2x1
jax: 0.10.2.dev20260603
libtpu: 0.0.44.dev20260713+nightly
codegen_flags: <defaults>
</compile_context>

<pallas_src>
import functools

import jax
import jax.numpy as jnp
from jax import lax
from jax.experimental import pallas as pl
from jax.experimental.pallas import tpu as pltpu
from jax.experimental.pallas import tpu_sc as plsc

N = 10000
D = 128
E = 320000

NC = 2
NS = 16
L = 16
NW = NC * NS

CHUNK = 128
NPAD = 10240
ROWS_PER_TILE = NPAD // NS
CHW = 80
TOTAL_CHUNKS = CHW * NW
E_PAD = TOTAL_CHUNKS * CHUNK

_mesh = plsc.VectorSubcoreMesh(
    core_axis_name="c", subcore_axis_name="s", num_cores=NC)


@functools.partial(
    pl.kernel,
    out_type=jax.ShapeDtypeStruct((2 * 2 * NPAD,), jnp.float32),
    mesh=_mesh,
    scratch_types=[
        pltpu.VMEM_SHARED((NPAD,), jnp.float32),
        pltpu.VMEM_SHARED((NPAD,), jnp.float32),
        pltpu.VMEM((CHW, CHUNK), jnp.int32),
        pltpu.VMEM((CHW, CHUNK), jnp.int32),
        pltpu.VMEM((CHUNK,), jnp.float32),
    ],
)
def _degree_kernel(src_hbm, dst_hbm, zvec_hbm, out_hbm, acc_s, acc_d, sidx, didx, ones):
    cid = lax.axis_index("c")
    sid = lax.axis_index("s")
    wid = cid * NS + sid
    for j in range(CHUNK // L):
        ones[pl.ds(j * L, L)] = jnp.ones((L,), jnp.float32)
    pltpu.sync_copy(zvec_hbm, acc_s.at[pl.ds(sid * ROWS_PER_TILE, ROWS_PER_TILE)])
    pltpu.sync_copy(zvec_hbm, acc_d.at[pl.ds(sid * ROWS_PER_TILE, ROWS_PER_TILE)])
    plsc.subcore_barrier()
    pltpu.sync_copy(src_hbm.at[pl.ds(wid * CHW, CHW)], sidx)
    pltpu.sync_copy(dst_hbm.at[pl.ds(wid * CHW, CHW)], didx)

    @pl.loop(0, CHW)
    def _(j):
        pltpu.sync_copy(ones, acc_s.at[sidx.at[j]], add=True)
        pltpu.sync_copy(ones, acc_d.at[didx.at[j]], add=True)

    plsc.subcore_barrier()
    base = cid * 2 * NPAD + sid * ROWS_PER_TILE
    pltpu.sync_copy(acc_s.at[pl.ds(sid * ROWS_PER_TILE, ROWS_PER_TILE)],
                    out_hbm.at[pl.ds(base, ROWS_PER_TILE)])
    pltpu.sync_copy(acc_d.at[pl.ds(sid * ROWS_PER_TILE, ROWS_PER_TILE)],
                    out_hbm.at[pl.ds(base + NPAD, ROWS_PER_TILE)])


NBUF = 2
ILOAD = 16


@functools.partial(
    pl.kernel,
    out_type=jax.ShapeDtypeStruct((2 * NPAD, D), jnp.float32),
    mesh=_mesh,
    scratch_types=[
        pltpu.VMEM_SHARED((NPAD, D), jnp.float32),
        pltpu.VMEM((ILOAD, CHUNK), jnp.int32),
        pltpu.VMEM((ILOAD, CHUNK), jnp.int32),
        pltpu.VMEM((NBUF, CHUNK, D), jnp.float32),
    ] + [pltpu.SemaphoreType.DMA] * (2 * NBUF),
)
def _agg_kernel(feat_hbm, src_hbm, dst_hbm, zrows_hbm, out_hbm, acc, sidx, didx,
                rows, *sems):
    gsem = sems[:NBUF]
    ssem = sems[NBUF:]
    cid = lax.axis_index("c")
    sid = lax.axis_index("s")
    wid = cid * NS + sid
    pltpu.sync_copy(zrows_hbm, acc.at[pl.ds(sid * ROWS_PER_TILE, ROWS_PER_TILE)])
    plsc.subcore_barrier()

    @pl.loop(0, CHW, step=ILOAD)
    def _(j0):
        pltpu.sync_copy(src_hbm.at[pl.ds(wid * CHW + j0, ILOAD)], sidx)
        pltpu.sync_copy(dst_hbm.at[pl.ds(wid * CHW + j0, ILOAD)], didx)
        for g in range(0, ILOAD, NBUF):
            gcps = [pltpu.async_copy(feat_hbm.at[sidx.at[g + b]], rows.at[b],
                                     gsem[b])
                    for b in range(NBUF)]
            scps = []
            for b in range(NBUF):
                gcps[b].wait()
                scps.append(pltpu.async_copy(rows.at[b],
                                             acc.at[didx.at[g + b]],
                                             ssem[b], add=True))
            for cp in scps:
                cp.wait()

    plsc.subcore_barrier()
    pltpu.sync_copy(acc.at[pl.ds(sid * ROWS_PER_TILE, ROWS_PER_TILE)],
                    out_hbm.at[pl.ds(cid * NPAD + sid * ROWS_PER_TILE, ROWS_PER_TILE)])


_RB = 1280


def _scale_body(feat_ref, d0_ref, d1_ref, o_ref):
    deg = jnp.maximum(d0_ref[...] + d1_ref[...], 1.0)
    o_ref[...] = feat_ref[...] * lax.rsqrt(deg)


_scale_call = pl.pallas_call(
    _scale_body,
    out_shape=jax.ShapeDtypeStruct((NPAD, D), jnp.float32),
    grid=(NPAD // _RB,),
    in_specs=[
        pl.BlockSpec((_RB, D), lambda i: (i, 0)),
        pl.BlockSpec((_RB, 1), lambda i: (i, 0)),
        pl.BlockSpec((_RB, 1), lambda i: (i, 0)),
    ],
    out_specs=pl.BlockSpec((_RB, D), lambda i: (i, 0)),
)


_RBF = 2000


def _final_body(feat_ref, p0_ref, p1_ref, i0_ref, i1_ref, w_ref, b_ref, o_ref):
    deg = jnp.maximum(i0_ref[...] + i1_ref[...], 1.0)
    h = (p0_ref[...] + p1_ref[...]) * lax.rsqrt(deg)
    o_ref[...] = (feat_ref[...]
                  + jnp.dot(h, w_ref[...], preferred_element_type=jnp.float32)
                  + b_ref[...])


_final_call = pl.pallas_call(
    _final_body,
    out_shape=jax.ShapeDtypeStruct((N, D), jnp.float32),
    grid=(N // _RBF,),
    in_specs=[
        pl.BlockSpec((_RBF, D), lambda i: (i, 0)),
        pl.BlockSpec((_RBF, D), lambda i: (i, 0)),
        pl.BlockSpec((_RBF, D), lambda i: (i, 0)),
        pl.BlockSpec((_RBF, 1), lambda i: (i, 0)),
        pl.BlockSpec((_RBF, 1), lambda i: (i, 0)),
        pl.BlockSpec((D, D), lambda i: (0, 0)),
        pl.BlockSpec((1, D), lambda i: (0, 0)),
    ],
    out_specs=pl.BlockSpec((_RBF, D), lambda i: (i, 0)),
)


def kernel(feature, edge_index, W, b):
    src = edge_index[0]
    dst = edge_index[1]
    pad = N + (jnp.arange(E_PAD - E, dtype=jnp.int32) % (NPAD - N))
    src2d = jnp.concatenate([src, pad]).reshape(TOTAL_CHUNKS, CHUNK)
    dst2d = jnp.concatenate([dst, pad]).reshape(TOTAL_CHUNKS, CHUNK)

    zvec = jnp.zeros((ROWS_PER_TILE,), jnp.float32)
    zrows = jnp.zeros((ROWS_PER_TILE, D), jnp.float32)

    degs = _degree_kernel(src2d, dst2d, zvec).reshape(2, 2, NPAD)
    od0 = degs[0, 0].reshape(NPAD, 1)
    od1 = degs[1, 0].reshape(NPAD, 1)
    id0 = degs[0, 1, :N].reshape(N, 1)
    id1 = degs[1, 1, :N].reshape(N, 1)

    feature_pad = jnp.concatenate(
        [feature, jnp.zeros((NPAD - N, D), jnp.float32)], axis=0)
    feat_src = _scale_call(feature_pad, od0, od1)

    parts = _agg_kernel(feat_src, src2d, dst2d, zrows)
    p0 = parts[:N]
    p1 = parts[NPAD:NPAD + N]

    return _final_call(feature, p0, p1, id0, id1, W, b.reshape(1, D))

# --- scband reference (transcript-rebuilt; emitter-appended) ---
"""Pipeline reference for scband-gcnlayer-66726611911052 (READ-ONLY COPY).

The authoritative reference and input builder live on the scoring server;
editing this copy changes nothing except your own understanding.
"""

import jax, jax.numpy as jnp
import numpy as np

N = 10000
E = 320000
D = 128


def setup_inputs(seed: int = 0) -> dict:
    key = jax.random.key(seed)
    k1, k2, k3, k4 = jax.random.split(key, 4)
    feature = jax.random.normal(k1, (N, D), dtype=jnp.float32)
    edge_index = jax.random.randint(k2, (2, E), 0, N, dtype=jnp.int32)
    # GraphConv weight (in_dim -> out_dim) + bias, glorot-ish init
    W = jax.random.normal(k3, (D, D), dtype=jnp.float32) * (1.0 / np.sqrt(D))
    b = jnp.zeros((D,), dtype=jnp.float32)
    return {"feature": feature, "edge_index": edge_index, "W": W, "b": b}


def reference(feature, edge_index, W, b):
    # GCNLayer.forward with dgl_builtin=True, bn=False, activation=None,
    # residual=True (in_dim == out_dim), dropout=0.0, out_mlp=False.
    # DGL GraphConv with norm='both', allow_zero_in_degree=True:
    #   h = D_in^{-1/2} A D_out^{-1/2} X W + b   (degrees clamped to >= 1)
    src = edge_index[0]
    dst = edge_index[1]
    n = feature.shape[0]
    ones = jnp.ones((src.shape[0],), dtype=feature.dtype)
    # source-side normalization by out-degree^{-1/2}
    out_deg = jnp.zeros((n,), dtype=feature.dtype).at[src].add(ones)
    out_deg = jnp.clip(out_deg, 1.0, None)
    norm_src = jax.lax.rsqrt(out_deg)
    feat_src = feature * norm_src[:, None]
    # gather messages from src, scatter-add into dst
    msg = jnp.take(feat_src, src, axis=0)
    agg = jnp.zeros((n, feature.shape[1]), dtype=feature.dtype).at[dst].add(msg)
    # destination-side normalization by in-degree^{-1/2}
    in_deg = jnp.zeros((n,), dtype=feature.dtype).at[dst].add(ones)
    in_deg = jnp.clip(in_deg, 1.0, None)
    norm_dst = jax.lax.rsqrt(in_deg)
    h = agg * norm_dst[:, None]
    # linear projection (aggregate-first since in_dim == out_dim)
    h = h @ W + b
    # bn=False, activation=None
    # residual connection
    h = feature + h
    # dropout p=0.0 -> identity
    return h

if __name__ == "__main__":
    import jax
    _d = setup_inputs()
    print(jax.jit(kernel)(*tuple(_d.values())))

</pallas_src>

<mosaic_0001>
#map = affine_map<(d0, d1) -> (0, 0)>
#map1 = affine_map<(d0, d1) -> (0)>
module attributes {stable_mosaic.version = 14 : i64} {
  func.func @_degree_kernel(%arg0: i32, %arg1: i32, %arg2: memref<2560x128xi32, #tpu.memory_space<hbm>>, %arg3: memref<2560x128xi32, #tpu.memory_space<hbm>>, %arg4: memref<640xf32, #tpu.memory_space<hbm>>, %arg5: memref<40960xf32, #tpu.memory_space<hbm>>, %arg6: memref<10240xf32, #tpu.memory_space<vmem_shared>>, %arg7: memref<10240xf32, #tpu.memory_space<vmem_shared>>, %arg8: memref<80x128xi32, #tpu.memory_space<vmem>>, %arg9: memref<80x128xi32, #tpu.memory_space<vmem>>, %arg10: memref<128xf32, #tpu.memory_space<vmem>>) attributes {dimension_semantics = [#tpu.dimension_semantics<core_parallel>, #tpu.dimension_semantics<subcore_parallel>], iteration_bounds = array<i64: 2, 16>, scalar_prefetch = 0 : i64, scratch_operands = 5 : i64, tpu.core_type = #tpu.core_type<sc_vector_subcore>, window_params = [{transform_indices = #map}, {transform_indices = #map}, {transform_indices = #map1}, {transform_indices = #map1}]} {
    %mul3A = arith.constant 16 : i32
    %mul3A_0 = arith.muli %arg0, %mul3A : i32
    %add3A = arith.addi %mul3A_0, %arg1 : i32
    %broadcast_in_dim3A = arith.constant 1.000000e+00 : f32
    %broadcast_in_dim3A_1 = vector.broadcast %broadcast_in_dim3A : f32 to vector<16xf32>
    %swap3A = arith.constant 0 : index
    %swap3A_2 = tpu.vector_load %arg10[%swap3A] {strides = array<i32>} : memref<128xf32, #tpu.memory_space<vmem>>, vector<16xf32>,
    %swap3A_3 = vector.shape_cast %swap3A_2 : vector<16xf32> to vector<16xf32>
    %swap3A_4 = vector.shape_cast %broadcast_in_dim3A_1 : vector<16xf32> to vector<16xf32>
    tpu.vector_store %arg10[%swap3A], %swap3A_4 {strides = array<i32>} : memref<128xf32, #tpu.memory_space<vmem>>, vector<16xf32>,
    %broadcast_in_dim3A_5 = arith.constant 1.000000e+00 : f32
    %broadcast_in_dim3A_6 = vector.broadcast %broadcast_in_dim3A_5 : f32 to vector<16xf32>
    %swap3A_7 = arith.constant 16 : index
    %swap3A_8 = tpu.vector_load %arg10[%swap3A_7] {strides = array<i32>} : memref<128xf32, #tpu.memory_space<vmem>>, vector<16xf32>,
    %swap3A_9 = vector.shape_cast %swap3A_8 : vector<16xf32> to vector<16xf32>
    %swap3A_10 = vector.shape_cast %broadcast_in_dim3A_6 : vector<16xf32> to vector<16xf32>
    tpu.vector_store %arg10[%swap3A_7], %swap3A_10 {strides = array<i32>} : memref<128xf32, #tpu.memory_space<vmem>>, vector<16xf32>,
    %broadcast_in_dim3A_11 = arith.constant 1.000000e+00 : f32
    %broadcast_in_dim3A_12 = vector.broadcast %broadcast_in_dim3A_11 : f32 to vector<16xf32>
    %swap3A_13 = arith.constant 32 : index
    %swap3A_14 = tpu.vector_load %arg10[%swap3A_13] {strides = array<i32>} : memref<128xf32, #tpu.memory_space<vmem>>, vector<16xf32>,
    %swap3A_15 = vector.shape_cast %swap3A_14 : vector<16xf32> to vector<16xf32>
    %swap3A_16 = vector.shape_cast %broadcast_in_dim3A_12 : vector<16xf32> to vector<16xf32>
    tpu.vector_store %arg10[%swap3A_13], %swap3A_16 {strides = array<i32>} : memref<128xf32, #tpu.memory_space<vmem>>, vector<16xf32>,
    %broadcast_in_dim3A_17 = arith.constant 1.000000e+00 : f32
    %broadcast_in_dim3A_18 = vector.broadcast %broadcast_in_dim3A_17 : f32 to vector<16xf32>
    %swap3A_19 = arith.constant 48 : index
    %swap3A_20 = tpu.vector_load %arg10[%swap3A_19] {strides = array<i32>} : memref<128xf32, #tpu.memory_space<vmem>>, vector<16xf32>,
    %swap3A_21 = vector.shape_cast %swap3A_20 : vector<16xf32> to vector<16xf32>
    %swap3A_22 = vector.shape_cast %broadcast_in_dim3A_18 : vector<16xf32> to vector<16xf32>
    tpu.vector_store %arg10[%swap3A_19], %swap3A_22 {strides = array<i32>} : memref<128xf32, #tpu.memory_space<vmem>>, vector<16xf32>,
    %broadcast_in_dim3A_23 = arith.constant 1.000000e+00 : f32
    %broadcast_in_dim3A_24 = vector.broadcast %broadcast_in_dim3A_23 : f32 to vector<16xf32>
    %swap3A_25 = arith.constant 64 : index
    %swap3A_26 = tpu.vector_load %arg10[%swap3A_25] {strides = array<i32>} : memref<128xf32, #tpu.memory_space<vmem>>, vector<16xf32>,
    %swap3A_27 = vector.shape_cast %swap3A_26 : vector<16xf32> to vector<16xf32>
    %swap3A_28 = vector.shape_cast %broadcast_in_dim3A_24 : vector<16xf32> to vector<16xf32>
    tpu.vector_store %arg10[%swap3A_25], %swap3A_28 {strides = array<i32>} : memref<128xf32, #tpu.memory_space<vmem>>, vector<16xf32>,
    %broadcast_in_dim3A_29 = arith.constant 1.000000e+00 : f32
    %broadcast_in_dim3A_30 = vector.broadcast %broadcast_in_dim3A_29 : f32 to vector<16xf32>
    %swap3A_31 = arith.constant 80 : index
    %swap3A_32 = tpu.vector_load %arg10[%swap3A_31] {strides = array<i32>} : memref<128xf32, #tpu.memory_space<vmem>>, vector<16xf32>,
    %swap3A_33 = vector.shape_cast %swap3A_32 : vector<16xf32> to vector<16xf32>
    %swap3A_34 = vector.shape_cast %broadcast_in_dim3A_30 : vector<16xf32> to vector<16xf32>
    tpu.vector_store %arg10[%swap3A_31], %swap3A_34 {strides = array<i32>} : memref<128xf32, #tpu.memory_space<vmem>>, vector<16xf32>,
    %broadcast_in_dim3A_35 = arith.constant 1.000000e+00 : f32
    %broadcast_in_dim3A_36 = vector.broadcast %broadcast_in_dim3A_35 : f32 to vector<16xf32>
    %swap3A_37 = arith.constant 96 : index
    %swap3A_38 = tpu.vector_load %arg10[%swap3A_37] {strides = array<i32>} : memref<128xf32, #tpu.memory_space<vmem>>, vector<16xf32>,
    %swap3A_39 = vector.shape_cast %swap3A_38 : vector<16xf32> to vector<16xf32>
    %swap3A_40 = vector.shape_cast %broadcast_in_dim3A_36 : vector<16xf32> to vector<16xf32>
    tpu.vector_store %arg10[%swap3A_37], %swap3A_40 {strides = array<i32>} : memref<128xf32, #tpu.memory_space<vmem>>, vector<16xf32>,
    %broadcast_in_dim3A_41 = arith.constant 1.000000e+00 : f32
    %broadcast_in_dim3A_42 = vector.broadcast %broadcast_in_dim3A_41 : f32 to vector<16xf32>
    %swap3A_43 = arith.constant 112 : index
    %swap3A_44 = tpu.vector_load %arg10[%swap3A_43] {strides = array<i32>} : memref<128xf32, #tpu.memory_space<vmem>>, vector<16xf32>,
    %swap3A_45 = vector.shape_cast %swap3A_44 : vector<16xf32> to vector<16xf32>
    %swap3A_46 = vector.shape_cast %broadcast_in_dim3A_42 : vector<16xf32> to vector<16xf32>
    tpu.vector_store %arg10[%swap3A_43], %swap3A_46 {strides = array<i32>} : memref<128xf32, #tpu.memory_space<vmem>>, vector<16xf32>,
    %mul3A_47 = arith.constant 640 : i32
    %mul3A_48 = arith.muli %arg1, %mul3A_47 : i32
    "tpu.region"() ({
      %run_scoped3A = tpu.sem_alloc : memref<!tpu.dma_semaphore, #tpu.memory_space<semaphore_mem>>
      %dma_start3A = tpu.memref_slice %arg6[%mul3A_48] : memref<10240xf32, #tpu.memory_space<vmem_shared>> -> memref<640xf32, #tpu.memory_space<vmem_shared>>
      tpu.enqueue_dma source(%arg4 : memref<640xf32, #tpu.memory_space<hbm>>) target(%dma_start3A : memref<640xf32, #tpu.memory_space<vmem_shared>>) target_semaphore(%run_scoped3A : memref<!tpu.dma_semaphore, #tpu.memory_space<semaphore_mem>>)
      %dma_wait3A = tpu.memref_slice %arg6[%mul3A_48] : memref<10240xf32, #tpu.memory_space<vmem_shared>> -> memref<640xf32, #tpu.memory_space<vmem_shared>>
      tpu.wait_dma2 semaphore(%run_scoped3A : memref<!tpu.dma_semaphore, #tpu.memory_space<semaphore_mem>>) src(%arg4 : memref<640xf32, #tpu.memory_space<hbm>>) dst(%dma_wait3A : memref<640xf32, #tpu.memory_space<vmem_shared>>)
      tpu.yield
    }) : () -> ()
    %mul3A_49 = arith.constant 640 : i32
    %mul3A_50 = arith.muli %arg1, %mul3A_49 : i32
    "tpu.region"() ({
      %run_scoped3A = tpu.sem_alloc : memref<!tpu.dma_semaphore, #tpu.memory_space<semaphore_mem>>
      %dma_start3A = tpu.memref_slice %arg7[%mul3A_50] : memref<10240xf32, #tpu.memory_space<vmem_shared>> -> memref<640xf32, #tpu.memory_space<vmem_shared>>
      tpu.enqueue_dma source(%arg4 : memref<640xf32, #tpu.memory_space<hbm>>) target(%dma_start3A : memref<640xf32, #tpu.memory_space<vmem_shared>>) target_semaphore(%run_scoped3A : memref<!tpu.dma_semaphore, #tpu.memory_space<semaphore_mem>>)
      %dma_wait3A = tpu.memref_slice %arg7[%mul3A_50] : memref<10240xf32, #tpu.memory_space<vmem_shared>> -> memref<640xf32, #tpu.memory_space<vmem_shared>>
      tpu.wait_dma2 semaphore(%run_scoped3A : memref<!tpu.dma_semaphore, #tpu.memory_space<semaphore_mem>>) src(%arg4 : memref<640xf32, #tpu.memory_space<hbm>>) dst(%dma_wait3A : memref<640xf32, #tpu.memory_space<vmem_shared>>)
      tpu.yield
    }) : () -> ()
    %barrier3A = arith.constant 0 : index
    tpu.barrier barrier_id(%barrier3A)
    %mul3A_51 = arith.constant 80 : i32
    %mul3A_52 = arith.muli %add3A, %mul3A_51 : i32
    "tpu.region"() ({
      %run_scoped3A = tpu.sem_alloc : memref<!tpu.dma_semaphore, #tpu.memory_space<semaphore_mem>>
      %dma_start3A = arith.constant 0 : i32
      %dma_start3A_73 = tpu.memref_slice %arg2[%mul3A_52, %dma_start3A] : memref<2560x128xi32, #tpu.memory_space<hbm>> -> memref<80x128xi32, #tpu.memory_space<hbm>>
      %dma_start3A_74 = arith.constant 0 : i32
      %dma_start3A_75 = tpu.memref_slice %arg2[%mul3A_52, %dma_start3A_74] : memref<2560x128xi32, #tpu.memory_space<hbm>> -> memref<80x128xi32, #tpu.memory_space<hbm>>
      tpu.enqueue_dma source(%dma_start3A_75 : memref<80x128xi32, #tpu.memory_space<hbm>>) target(%arg8 : memref<80x128xi32, #tpu.memory_space<vmem>>) target_semaphore(%run_scoped3A : memref<!tpu.dma_semaphore, #tpu.memory_space<semaphore_mem>>)
      %dma_wait3A = arith.constant 0 : i32
      %dma_wait3A_76 = tpu.memref_slice %arg2[%mul3A_52, %dma_wait3A] : memref<2560x128xi32, #tpu.memory_space<hbm>> -> memref<80x128xi32, #tpu.memory_space<hbm>>
      %dma_wait3A_77 = arith.constant 0 : i32
      %dma_wait3A_78 = tpu.memref_slice %arg2[%mul3A_52, %dma_wait3A_77] : memref<2560x128xi32, #tpu.memory_space<hbm>> -> memref<80x128xi32, #tpu.memory_space<hbm>>
      tpu.wait_dma2 semaphore(%run_scoped3A : memref<!tpu.dma_semaphore, #tpu.memory_space<semaphore_mem>>) src(%dma_wait3A_78 : memref<80x128xi32, #tpu.memory_space<hbm>>) dst(%arg8 : memref<80x128xi32, #tpu.memory_space<vmem>>)
      tpu.yield
    }) : () -> ()
    %mul3A_53 = arith.constant 80 : i32
    %mul3A_54 = arith.muli %add3A, %mul3A_53 : i32
    "tpu.region"() ({
      %run_scoped3A = tpu.sem_alloc : memref<!tpu.dma_semaphore, #tpu.memory_space<semaphore_mem>>
      %dma_start3A = arith.constant 0 : i32
      %dma_start3A_73 = tpu.memref_slice %arg3[%mul3A_54, %dma_start3A] : memref<2560x128xi32, #tpu.memory_space<hbm>> -> memref<80x128xi32, #tpu.memory_space<hbm>>
      %dma_start3A_74 = arith.constant 0 : i32
      %dma_start3A_75 = tpu.memref_slice %arg3[%mul3A_54, %dma_start3A_74] : memref<2560x128xi32, #tpu.memory_space<hbm>> -> memref<80x128xi32, #tpu.memory_space<hbm>>
      tpu.enqueue_dma source(%dma_start3A_75 : memref<80x128xi32, #tpu.memory_space<hbm>>) target(%arg9 : memref<80x128xi32, #tpu.memory_space<vmem>>) target_semaphore(%run_scoped3A : memref<!tpu.dma_semaphore, #tpu.memory_space<semaphore_mem>>)
      %dma_wait3A = arith.constant 0 : i32
      %dma_wait3A_76 = tpu.memref_slice %arg3[%mul3A_54, %dma_wait3A] : memref<2560x128xi32, #tpu.memory_space<hbm>> -> memref<80x128xi32, #tpu.memory_space<hbm>>
      %dma_wait3A_77 = arith.constant 0 : i32
      %dma_wait3A_78 = tpu.memref_slice %arg3[%mul3A_54, %dma_wait3A_77] : memref<2560x128xi32, #tpu.memory_space<hbm>> -> memref<80x128xi32, #tpu.memory_space<hbm>>
      tpu.wait_dma2 semaphore(%run_scoped3A : memref<!tpu.dma_semaphore, #tpu.memory_space<semaphore_mem>>) src(%dma_wait3A_78 : memref<80x128xi32, #tpu.memory_space<hbm>>) dst(%arg9 : memref<80x128xi32, #tpu.memory_space<vmem>>)
      tpu.yield
    }) : () -> ()
    %scan3A = arith.constant 0 : i32
    %scan3A_55 = arith.constant 80 : i32
    %scan3A_56 = arith.addi %scan3A, %scan3A_55 : i32
    %scan3A_57 = arith.constant 1 : i32
    scf.for %scan3A_73 = %scan3A to %scan3A_56 step %scan3A_57  : i32 {
      %mul3A_74 = arith.constant 1 : i32
      %mul3A_75 = arith.muli %scan3A_73, %mul3A_74 : i32
      %add3A_76 = arith.constant 0 : i32
      %add3A_77 = arith.addi %add3A_76, %mul3A_75 : i32
      "tpu.region"() ({
        %run_scoped3A = tpu.sem_alloc : memref<!tpu.dma_semaphore, #tpu.memory_space<semaphore_mem>>
        %dma_start3A = arith.constant 0 : i32
        %dma_start3A_78 = tpu.memref_slice %arg8[%add3A_77, %dma_start3A] : memref<80x128xi32, #tpu.memory_space<vmem>> -> memref<1x128xi32, #tpu.memory_space<vmem>>
        %dma_start3A_79 = tpu.memref_squeeze %dma_start3A_78 : memref<1x128xi32, #tpu.memory_space<vmem>> -> memref<128xi32, #tpu.memory_space<vmem>>
        %dma_start3A_80 = arith.constant 0 : i32
        %dma_start3A_81 = tpu.memref_slice %arg6[%dma_start3A_80] : memref<10240xf32, #tpu.memory_space<vmem_shared>> -> memref<10240xf32, #tpu.memory_space<vmem_shared>>
        tpu.enqueue_indirect_dma source(%arg10 : memref<128xf32, #tpu.memory_space<vmem>>) target(%dma_start3A_81 : memref<10240xf32, #tpu.memory_space<vmem_shared>>) offsets(%dma_start3A_79 : memref<128xi32, #tpu.memory_space<vmem>>) semaphore(%run_scoped3A : memref<!tpu.dma_semaphore, #tpu.memory_space<semaphore_mem>>) {add = true}
        %dma_wait3A = arith.constant 0 : i32
        %dma_wait3A_82 = tpu.memref_slice %arg8[%add3A_77, %dma_wait3A] : memref<80x128xi32, #tpu.memory_space<vmem>> -> memref<1x128xi32, #tpu.memory_space<vmem>>
        %dma_wait3A_83 = tpu.memref_squeeze %dma_wait3A_82 : memref<1x128xi32, #tpu.memory_space<vmem>> -> memref<128xi32, #tpu.memory_space<vmem>>
        %dma_wait3A_84 = arith.constant 0 : i32
        %dma_wait3A_85 = tpu.memref_slice %arg6[%dma_wait3A_84] : memref<10240xf32, #tpu.memory_space<vmem_shared>> -> memref<10240xf32, #tpu.memory_space<vmem_shared>>
        tpu.wait_indirect_dma semaphore(%run_scoped3A : memref<!tpu.dma_semaphore, #tpu.memory_space<semaphore_mem>>) src(%arg10 : memref<128xf32, #tpu.memory_space<vmem>>) dst(%dma_wait3A_85 : memref<10240xf32, #tpu.memory_space<vmem_shared>>)
        tpu.yield
      }) : () -> ()
      "tpu.region"() ({
        %run_scoped3A = tpu.sem_alloc : memref<!tpu.dma_semaphore, #tpu.memory_space<semaphore_mem>>
        %dma_start3A = arith.constant 0 : i32
        %dma_start3A_78 = tpu.memref_slice %arg9[%add3A_77, %dma_start3A] : memref<80x128xi32, #tpu.memory_space<vmem>> -> memref<1x128xi32, #tpu.memory_space<vmem>>
        %dma_start3A_79 = tpu.memref_squeeze %dma_start3A_78 : memref<1x128xi32, #tpu.memory_space<vmem>> -> memref<128xi32, #tpu.memory_space<vmem>>
        %dma_start3A_80 = arith.constant 0 : i32
        %dma_start3A_81 = tpu.memref_slice %arg7[%dma_start3A_80] : memref<10240xf32, #tpu.memory_space<vmem_shared>> -> memref<10240xf32, #tpu.memory_space<vmem_shared>>
        tpu.enqueue_indirect_dma source(%arg10 : memref<128xf32, #tpu.memory_space<vmem>>) target(%dma_start3A_81 : memref<10240xf32, #tpu.memory_space<vmem_shared>>) offsets(%dma_start3A_79 : memref<128xi32, #tpu.memory_space<vmem>>) semaphore(%run_scoped3A : memref<!tpu.dma_semaphore, #tpu.memory_space<semaphore_mem>>) {add = true}
        %dma_wait3A = arith.constant 0 : i32
        %dma_wait3A_82 = tpu.memref_slice %arg9[%add3A_77, %dma_wait3A] : memref<80x128xi32, #tpu.memory_space<vmem>> -> memref<1x128xi32, #tpu.memory_space<vmem>>
        %dma_wait3A_83 = tpu.memref_squeeze %dma_wait3A_82 : memref<1x128xi32, #tpu.memory_space<vmem>> -> memref<128xi32, #tpu.memory_space<vmem>>
        %dma_wait3A_84 = arith.constant 0 : i32
        %dma_wait3A_85 = tpu.memref_slice %arg7[%dma_wait3A_84] : memref<10240xf32, #tpu.memory_space<vmem_shared>> -> memref<10240xf32, #tpu.memory_space<vmem_shared>>
        tpu.wait_indirect_dma semaphore(%run_scoped3A : memref<!tpu.dma_semaphore, #tpu.memory_space<semaphore_mem>>) src(%arg10 : memref<128xf32, #tpu.memory_space<vmem>>) dst(%dma_wait3A_85 : memref<10240xf32, #tpu.memory_space<vmem_shared>>)
        tpu.yield
      }) : () -> ()
    }
    %scan3A_58 = arith.constant 80 : i32
    %barrier3A_59 = arith.constant 0 : index
    tpu.barrier barrier_id(%barrier3A_59)
    %mul3A_60 = arith.constant 2 : i32
    %mul3A_61 = arith.muli %arg0, %mul3A_60 : i32
    %mul3A_62 = arith.constant 10240 : i32
    %mul3A_63 = arith.muli %mul3A_61, %mul3A_62 : i32
    %mul3A_64 = arith.constant 640 : i32
    %mul3A_65 = arith.muli %arg1, %mul3A_64 : i32
    %add3A_66 = arith.addi %mul3A_63, %mul3A_65 : i32
    %mul3A_67 = arith.constant 640 : i32
    %mul3A_68 = arith.muli %arg1, %mul3A_67 : i32
    "tpu.region"() ({
      %run_scoped3A = tpu.sem_alloc : memref<!tpu.dma_semaphore, #tpu.memory_space<semaphore_mem>>
      %dma_start3A = tpu.memref_slice %arg5[%add3A_66] : memref<40960xf32, #tpu.memory_space<hbm>> -> memref<640xf32, #tpu.memory_space<hbm>>
      %dma_start3A_73 = tpu.memref_slice %arg6[%mul3A_68] : memref<10240xf32, #tpu.memory_space<vmem_shared>> -> memref<640xf32, #tpu.memory_space<vmem_shared>>
      tpu.enqueue_dma source(%dma_start3A_73 : memref<640xf32, #tpu.memory_space<vmem_shared>>) target(%dma_start3A : memref<640xf32, #tpu.memory_space<hbm>>) target_semaphore(%run_scoped3A : memref<!tpu.dma_semaphore, #tpu.memory_space<semaphore_mem>>)
      %dma_wait3A = tpu.memref_slice %arg5[%add3A_66] : memref<40960xf32, #tpu.memory_space<hbm>> -> memref<640xf32, #tpu.memory_space<hbm>>
      %dma_wait3A_74 = tpu.memref_slice %arg6[%mul3A_68] : memref<10240xf32, #tpu.memory_space<vmem_shared>> -> memref<640xf32, #tpu.memory_space<vmem_shared>>
      tpu.wait_dma2 semaphore(%run_scoped3A : memref<!tpu.dma_semaphore, #tpu.memory_space<semaphore_mem>>) src(%dma_wait3A_74 : memref<640xf32, #tpu.memory_space<vmem_shared>>) dst(%dma_wait3A : memref<640xf32, #tpu.memory_space<hbm>>)
      tpu.yield
    }) : () -> ()
    %mul3A_69 = arith.constant 640 : i32
    %mul3A_70 = arith.muli %arg1, %mul3A_69 : i32
    %add3A_71 = arith.constant 10240 : i32
    %add3A_72 = arith.addi %add3A_66, %add3A_71 : i32
    "tpu.region"() ({
      %run_scoped3A = tpu.sem_alloc : memref<!tpu.dma_semaphore, #tpu.memory_space<semaphore_mem>>
      %dma_start3A = tpu.memref_slice %arg5[%add3A_72] : memref<40960xf32, #tpu.memory_space<hbm>> -> memref<640xf32, #tpu.memory_space<hbm>>
      %dma_start3A_73 = tpu.memref_slice %arg7[%mul3A_70] : memref<10240xf32, #tpu.memory_space<vmem_shared>> -> memref<640xf32, #tpu.memory_space<vmem_shared>>
      tpu.enqueue_dma source(%dma_start3A_73 : memref<640xf32, #tpu.memory_space<vmem_shared>>) target(%dma_start3A : memref<640xf32, #tpu.memory_space<hbm>>) target_semaphore(%run_scoped3A : memref<!tpu.dma_semaphore, #tpu.memory_space<semaphore_mem>>)
      %dma_wait3A = tpu.memref_slice %arg5[%add3A_72] : memref<40960xf32, #tpu.memory_space<hbm>> -> memref<640xf32, #tpu.memory_space<hbm>>
      %dma_wait3A_74 = tpu.memref_slice %arg7[%mul3A_70] : memref<10240xf32, #tpu.memory_space<vmem_shared>> -> memref<640xf32, #tpu.memory_space<vmem_shared>>
      tpu.wait_dma2 semaphore(%run_scoped3A : memref<!tpu.dma_semaphore, #tpu.memory_space<semaphore_mem>>) src(%dma_wait3A_74 : memref<640xf32, #tpu.memory_space<vmem_shared>>) dst(%dma_wait3A : memref<640xf32, #tpu.memory_space<hbm>>)
      tpu.yield
    }) : () -> ()
    return
  }
}

#map = affine_map<(d0, d1) -> (0, 0)>
module attributes {stable_mosaic.version = 14 : i64} {
  func.func @_agg_kernel(%arg0: i32, %arg1: i32, %arg2: memref<10240x128xf32, #tpu.memory_space<hbm>>, %arg3: memref<2560x128xi32, #tpu.memory_space<hbm>>, %arg4: memref<2560x128xi32, #tpu.memory_space<hbm>>, %arg5: memref<640x128xf32, #tpu.memory_space<hbm>>, %arg6: memref<20480x128xf32, #tpu.memory_space<hbm>>, %arg7: memref<10240x128xf32, #tpu.memory_space<vmem_shared>>, %arg8: memref<16x128xi32, #tpu.memory_space<vmem>>, %arg9: memref<16x128xi32, #tpu.memory_space<vmem>>, %arg10: memref<2x128x128xf32, #tpu.memory_space<vmem>>, %arg11: memref<!tpu.dma_semaphore, #tpu.memory_space<semaphore_mem>>, %arg12: memref<!tpu.dma_semaphore, #tpu.memory_space<semaphore_mem>>, %arg13: memref<!tpu.dma_semaphore, #tpu.memory_space<semaphore_mem>>, %arg14: memref<!tpu.dma_semaphore, #tpu.memory_space<semaphore_mem>>) attributes {dimension_semantics = [#tpu.dimension_semantics<core_parallel>, #tpu.dimension_semantics<subcore_parallel>], iteration_bounds = array<i64: 2, 16>, scalar_prefetch = 0 : i64, scratch_operands = 8 : i64, tpu.core_type = #tpu.core_type<sc_vector_subcore>, window_params = [{transform_indices = #map}, {transform_indices = #map}, {transform_indices = #map}, {transform_indices = #map}, {transform_indices = #map}]} {
    %mul3A = arith.constant 16 : i32
    %mul3A_0 = arith.muli %arg0, %mul3A : i32
    %add3A = arith.addi %mul3A_0, %arg1 : i32
    %mul3A_1 = arith.constant 640 : i32
    %mul3A_2 = arith.muli %arg1, %mul3A_1 : i32
    "tpu.region"() ({
      %run_scoped3A = tpu.sem_alloc : memref<!tpu.dma_semaphore, #tpu.memory_space<semaphore_mem>>
      %dma_start3A = arith.constant 0 : i32
      %dma_start3A_15 = tpu.memref_slice %arg7[%mul3A_2, %dma_start3A] : memref<10240x128xf32, #tpu.memory_space<vmem_shared>> -> memref<640x128xf32, #tpu.memory_space<vmem_shared>>
      tpu.enqueue_dma source(%arg5 : memref<640x128xf32, #tpu.memory_space<hbm>>) target(%dma_start3A_15 : memref<640x128xf32, #tpu.memory_space<vmem_shared>>) target_semaphore(%run_scoped3A : memref<!tpu.dma_semaphore, #tpu.memory_space<semaphore_mem>>)
      %dma_wait3A = arith.constant 0 : i32
      %dma_wait3A_16 = tpu.memref_slice %arg7[%mul3A_2, %dma_wait3A] : memref<10240x128xf32, #tpu.memory_space<vmem_shared>> -> memref<640x128xf32, #tpu.memory_space<vmem_shared>>
      tpu.wait_dma2 semaphore(%run_scoped3A : memref<!tpu.dma_semaphore, #tpu.memory_space<semaphore_mem>>) src(%arg5 : memref<640x128xf32, #tpu.memory_space<hbm>>) dst(%dma_wait3A_16 : memref<640x128xf32, #tpu.memory_space<vmem_shared>>)
      tpu.yield
    }) : () -> ()
    %barrier3A = arith.constant 0 : index
    tpu.barrier barrier_id(%barrier3A)
    %scan3A = arith.constant 0 : i32
    %scan3A_3 = arith.constant 5 : i32
    %scan3A_4 = arith.addi %scan3A, %scan3A_3 : i32
    %scan3A_5 = arith.constant 1 : i32
    scf.for %scan3A_15 = %scan3A to %scan3A_4 step %scan3A_5  : i32 {
      %mul3A_16 = arith.constant 16 : i32
      %mul3A_17 = arith.muli %scan3A_15, %mul3A_16 : i32
      %add3A_18 = arith.constant 0 : i32
      %add3A_19 = arith.addi %add3A_18, %mul3A_17 : i32
      %mul3A_20 = arith.constant 80 : i32
      %mul3A_21 = arith.muli %add3A, %mul3A_20 : i32
      %add3A_22 = arith.addi %mul3A_21, %add3A_19 : i32
      "tpu.region"() ({
        %run_scoped3A = tpu.sem_alloc : memref<!tpu.dma_semaphore, #tpu.memory_space<semaphore_mem>>
        %dma_start3A_792 = arith.constant 0 : i32
        %dma_start3A_793 = tpu.memref_slice %arg3[%add3A_22, %dma_start3A_792] : memref<2560x128xi32, #tpu.memory_space<hbm>> -> memref<16x128xi32, #tpu.memory_space<hbm>>
        %dma_start3A_794 = arith.constant 0 : i32
        %dma_start3A_795 = tpu.memref_slice %arg3[%add3A_22, %dma_start3A_794] : memref<2560x128xi32, #tpu.memory_space<hbm>> -> memref<16x128xi32, #tpu.memory_space<hbm>>
        tpu.enqueue_dma source(%dma_start3A_795 : memref<16x128xi32, #tpu.memory_space<hbm>>) target(%arg8 : memref<16x128xi32, #tpu.memory_space<vmem>>) target_semaphore(%run_scoped3A : memref<!tpu.dma_semaphore, #tpu.memory_space<semaphore_mem>>)
        %dma_wait3A_796 = arith.constant 0 : i32
        %dma_wait3A_797 = tpu.memref_slice %arg3[%add3A_22, %dma_wait3A_796] : memref<2560x128xi32, #tpu.memory_space<hbm>> -> memref<16x128xi32, #tpu.memory_space<hbm>>
        %dma_wait3A_798 = arith.constant 0 : i32
        %dma_wait3A_799 = tpu.memref_slice %arg3[%add3A_22, %dma_wait3A_798] : memref<2560x128xi32, #tpu.memory_space<hbm>> -> memref<16x128xi32, #tpu.memory_space<hbm>>
        tpu.wait_dma2 semaphore(%run_scoped3A : memref<!tpu.dma_semaphore, #tpu.memory_space<semaphore_mem>>) src(%dma_wait3A_799 : memref<16x128xi32, #tpu.memory_space<hbm>>) dst(%arg8 : memref<16x128xi32, #tpu.memory_space<vmem>>)
        tpu.yield
      }) : () -> ()
      %mul3A_23 = arith.constant 80 : i32
      %mul3A_24 = arith.muli %add3A, %mul3A_23 : i32
      %add3A_25 = arith.addi %mul3A_24, %add3A_19 : i32
      "tpu.region"() ({
        %run_scoped3A = tpu.sem_alloc : memref<!tpu.dma_semaphore, #tpu.memory_space<semaphore_mem>>
        %dma_start3A_792 = arith.constant 0 : i32
        %dma_start3A_793 = tpu.memref_slice %arg4[%add3A_25, %dma_start3A_792] : memref<2560x128xi32, #tpu.memory_space<hbm>> -> memref<16x128xi32, #tpu.memory_space<hbm>>
        %dma_start3A_794 = arith.constant 0 : i32
        %dma_start3A_795 = tpu.memref_slice %arg4[%add3A_25, %dma_start3A_794] : memref<2560x128xi32, #tpu.memory_space<hbm>> -> memref<16x128xi32, #tpu.memory_space<hbm>>
        tpu.enqueue_dma source(%dma_start3A_795 : memref<16x128xi32, #tpu.memory_space<hbm>>) target(%arg9 : memref<16x128xi32, #tpu.memory_space<vmem>>) target_semaphore(%run_scoped3A : memref<!tpu.dma_semaphore, #tpu.memory_space<semaphore_mem>>)
        %dma_wait3A_796 = arith.constant 0 : i32
        %dma_wait3A_797 = tpu.memref_slice %arg4[%add3A_25, %dma_wait3A_796] : memref<2560x128xi32, #tpu.memory_space<hbm>> -> memref<16x128xi32, #tpu.memory_space<hbm>>
        %dma_wait3A_798 = arith.constant 0 : i32
        %dma_wait3A_799 = tpu.memref_slice %arg4[%add3A_25, %dma_wait3A_798] : memref<2560x128xi32, #tpu.memory_space<hbm>> -> memref<16x128xi32, #tpu.memory_space<hbm>>
        tpu.wait_dma2 semaphore(%run_scoped3A : memref<!tpu.dma_semaphore, #tpu.memory_space<semaphore_mem>>) src(%dma_wait3A_799 : memref<16x128xi32, #tpu.memory_space<hbm>>) dst(%arg9 : memref<16x128xi32, #tpu.memory_space<vmem>>)
        tpu.yield
      }) : () -> ()
      %dma_start3A = arith.constant 0 : i32
      %dma_start3A_26 = arith.constant 0 : i32
      %dma_start3A_27 = arith.constant 0 : i32
      %dma_start3A_28 = arith.constant 0 : i32
      %dma_start3A_29 = tpu.memref_slice %arg10[%dma_start3A_26, %dma_start3A_27, %dma_start3A_28] : memref<2x128x128xf32, #tpu.memory_space<vmem>> -> memref<1x128x128xf32, #tpu.memory_space<vmem>>
      %dma_start3A_30 = tpu.memref_squeeze %dma_start3A_29 : memref<1x128x128xf32, #tpu.memory_space<vmem>> -> memref<128x128xf32, #tpu.memory_space<vmem>>
      %dma_start3A_31 = arith.constant 0 : i32
      %dma_start3A_32 = tpu.memref_slice %arg8[%dma_start3A, %dma_start3A_31] : memref<16x128xi32, #tpu.memory_space<vmem>> -> memref<1x128xi32, #tpu.memory_space<vmem>>
      %dma_start3A_33 = tpu.memref_squeeze %dma_start3A_32 : memref<1x128xi32, #tpu.memory_space<vmem>> -> memref<128xi32, #tpu.memory_space<vmem>>
      %dma_start3A_34 = arith.constant 0 : i32
      %dma_start3A_35 = arith.constant 0 : i32
      %dma_start3A_36 = tpu.memref_slice %arg2[%dma_start3A_34, %dma_start3A_35] : memref<10240x128xf32, #tpu.memory_space<hbm>> -> memref<10240x128xf32, #tpu.memory_space<hbm>>
      tpu.enqueue_indirect_dma source(%dma_start3A_36 : memref<10240x128xf32, #tpu.memory_space<hbm>>) target(%dma_start3A_30 : memref<128x128xf32, #tpu.memory_space<vmem>>) offsets(%dma_start3A_33 : memref<128xi32, #tpu.memory_space<vmem>>) semaphore(%arg11 : memref<!tpu.dma_semaphore, #tpu.memory_space<semaphore_mem>>)
      %dma_start3A_37 = arith.constant 1 : i32
      %dma_start3A_38 = arith.constant 1 : i32
      %dma_start3A_39 = arith.constant 0 : i32
      %dma_start3A_40 = arith.constant 0 : i32
      %dma_start3A_41 = tpu.memref_slice %arg10[%dma_start3A_38, %dma_start3A_39, %dma_start3A_40] : memref<2x128x128xf32, #tpu.memory_space<vmem>> -> memref<1x128x128xf32, #tpu.memory_space<vmem>>
      %dma_start3A_42 = tpu.memref_squeeze %dma_start3A_41 : memref<1x128x128xf32, #tpu.memory_space<vmem>> -> memref<128x128xf32, #tpu.memory_space<vmem>>
      %dma_start3A_43 = arith.constant 0 : i32
      %dma_start3A_44 = tpu.memref_slice %arg8[%dma_start3A_37, %dma_start3A_43] : memref<16x128xi32, #tpu.memory_space<vmem>> -> memref<1x128xi32, #tpu.memory_space<vmem>>
      %dma_start3A_45 = tpu.memref_squeeze %dma_start3A_44 : memref<1x128xi32, #tpu.memory_space<vmem>> -> memref<128xi32, #tpu.memory_space<vmem>>
      %dma_start3A_46 = arith.constant 0 : i32
      %dma_start3A_47 = arith.constant 0 : i32
      %dma_start3A_48 = tpu.memref_slice %arg2[%dma_start3A_46, %dma_start3A_47] : memref<10240x128xf32, #tpu.memory_space<hbm>> -> memref<10240x128xf32, #tpu.memory_space<hbm>>
      tpu.enqueue_indirect_dma source(%dma_start3A_48 : memref<10240x128xf32, #tpu.memory_space<hbm>>) target(%dma_start3A_42 : memref<128x128xf32, #tpu.memory_space<vmem>>) offsets(%dma_start3A_45 : memref<128xi32, #tpu.memory_space<vmem>>) semaphore(%arg12 : memref<!tpu.dma_semaphore, #tpu.memory_space<semaphore_mem>>)
      %dma_wait3A = arith.constant 0 : i32
      %dma_wait3A_49 = arith.constant 0 : i32
      %dma_wait3A_50 = arith.constant 0 : i32
      %dma_wait3A_51 = arith.constant 0 : i32
      %dma_wait3A_52 = tpu.memref_slice %arg10[%dma_wait3A_49, %dma_wait3A_50, %dma_wait3A_51] : memref<2x128x128xf32, #tpu.memory_space<vmem>> -> memref<1x128x128xf32, #tpu.memory_space<vmem>>
      %dma_wait3A_53 = tpu.memref_squeeze %dma_wait3A_52 : memref<1x128x128xf32, #tpu.memory_space<vmem>> -> memref<128x128xf32, #tpu.memory_space<vmem>>
      %dma_wait3A_54 = arith.constant 0 : i32
      %dma_wait3A_55 = tpu.memref_slice %arg8[%dma_wait3A, %dma_wait3A_54] : memref<16x128xi32, #tpu.memory_space<vmem>> -> memref<1x128xi32, #tpu.memory_space<vmem>>
      %dma_wait3A_56 = tpu.memref_squeeze %dma_wait3A_55 : memref<1x128xi32, #tpu.memory_space<vmem>> -> memref<128xi32, #tpu.memory_space<vmem>>
      %dma_wait3A_57 = arith.constant 0 : i32
      %dma_wait3A_58 = arith.constant 0 : i32
      %dma_wait3A_59 = tpu.memref_slice %arg2[%dma_wait3A_57, %dma_wait3A_58] : memref<10240x128xf32, #tpu.memory_space<hbm>> -> memref<10240x128xf32, #tpu.memory_space<hbm>>
      tpu.wait_indirect_dma semaphore(%arg11 : memref<!tpu.dma_semaphore, #tpu.memory_space<semaphore_mem>>) src(%dma_wait3A_59 : memref<10240x128xf32, #tpu.memory_space<hbm>>) dst(%dma_wait3A_53 : memref<128x128xf32, #tpu.memory_space<vmem>>)
      %dma_start3A_60 = arith.constant 0 : i32
      %dma_start3A_61 = arith.constant 0 : i32
      %dma_start3A_62 = arith.constant 0 : i32
      %dma_start3A_63 = arith.constant 0 : i32
      %dma_start3A_64 = tpu.memref_slice %arg10[%dma_start3A_60, %dma_start3A_62, %dma_start3A_63] : memref<2x128x128xf32, #tpu.memory_space<vmem>> -> memref<1x128x128xf32, #tpu.memory_space<vmem>>
      %dma_start3A_65 = tpu.memref_squeeze %dma_start3A_64 : memref<1x128x128xf32, #tpu.memory_space<vmem>> -> memref<128x128xf32, #tpu.memory_space<vmem>>
      %dma_start3A_66 = arith.constant 0 : i32
      %dma_start3A_67 = tpu.memref_slice %arg9[%dma_start3A_61, %dma_start3A_66] : memref<16x128xi32, #tpu.memory_space<vmem>> -> memref<1x128xi32, #tpu.memory_space<vmem>>
      %dma_start3A_68 = tpu.memref_squeeze %dma_start3A_67 : memref<1x128xi32, #tpu.memory_space<vmem>> -> memref<128xi32, #tpu.memory_space<vmem>>
      %dma_start3A_69 = arith.constant 0 : i32
      %dma_start3A_70 = arith.constant 0 : i32
      %dma_start3A_71 = tpu.memref_slice %arg7[%dma_start3A_69, %dma_start3A_70] : memref<10240x128xf32, #tpu.memory_space<vmem_shared>> -> memref<10240x128xf32, #tpu.memory_space<vmem_shared>>
      tpu.enqueue_indirect_dma source(%dma_start3A_65 : memref<128x128xf32, #tpu.memory_space<vmem>>) target(%dma_start3A_71 : memref<10240x128xf32, #tpu.memory_space<vmem_shared>>) offsets(%dma_start3A_68 : memref<128xi32, #tpu.memory_space<vmem>>) semaphore(%arg13 : memref<!tpu.dma_semaphore, #tpu.memory_space<semaphore_mem>>) {add = true}
      %dma_wait3A_72 = arith.constant 1 : i32
      %dma_wait3A_73 = arith.constant 1 : i32
      %dma_wait3A_74 = arith.constant 0 : i32
      %dma_wait3A_75 = arith.constant 0 : i32
      %dma_wait3A_76 = tpu.memref_slice %arg10[%dma_wait3A_73, %dma_wait3A_74, %dma_wait3A_75] : memref<2x128x128xf32, #tpu.memory_space<vmem>> -> memref<1x128x128xf32, #tpu.memory_space<vmem>>
      %dma_wait3A_77 = tpu.memref_squeeze %dma_wait3A_76 : memref<1x128x128xf32, #tpu.memory_space<vmem>> -> memref<128x128xf32, #tpu.memory_space<vmem>>
      %dma_wait3A_78 = arith.constant 0 : i32
      %dma_wait3A_79 = tpu.memref_slice %arg8[%dma_wait3A_72, %dma_wait3A_78] : memref<16x128xi32, #tpu.memory_space<vmem>> -> memref<1x128xi32, #tpu.memory_space<vmem>>
      %dma_wait3A_80 = tpu.memref_squeeze %dma_wait3A_79 : memref<1x128xi32, #tpu.memory_space<vmem>> -> memref<128xi32, #tpu.memory_space<vmem>>
      %dma_wait3A_81 = arith.constant 0 : i32
      %dma_wait3A_82 = arith.constant 0 : i32
      %dma_wait3A_83 = tpu.memref_slice %arg2[%dma_wait3A_81, %dma_wait3A_82] : memref<10240x128xf32, #tpu.memory_space<hbm>> -> memref<10240x128xf32, #tpu.memory_space<hbm>>
      tpu.wait_indirect_dma semaphore(%arg12 : memref<!tpu.dma_semaphore, #tpu.memory_space<semaphore_mem>>) src(%dma_wait3A_83 : memref<10240x128xf32, #tpu.memory_space<hbm>>) dst(%dma_wait3A_77 : memref<128x128xf32, #tpu.memory_space<vmem>>)
      %dma_start3A_84 = arith.constant 1 : i32
      %dma_start3A_85 = arith.constant 1 : i32
      %dma_start3A_86 = arith.constant 0 : i32
      %dma_start3A_87 = arith.constant 0 : i32
      %dma_start3A_88 = tpu.memref_slice %arg10[%dma_start3A_84, %dma_start3A_86, %dma_start3A_87] : memref<2x128x128xf32, #tpu.memory_space<vmem>> -> memref<1x128x128xf32, #tpu.memory_space<vmem>>
      %dma_start3A_89 = tpu.memref_squeeze %dma_start3A_88 : memref<1x128x128xf32, #tpu.memory_space<vmem>> -> memref<128x128xf32, #tpu.memory_space<vmem>>
      %dma_start3A_90 = arith.constant 0 : i32
      %dma_start3A_91 = tpu.memref_slice %arg9[%dma_start3A_85, %dma_start3A_90] : memref<16x128xi32, #tpu.memory_space<vmem>> -> memref<1x128xi32, #tpu.memory_space<vmem>>
      %dma_start3A_92 = tpu.memref_squeeze %dma_start3A_91 : memref<1x128xi32, #tpu.memory_space<vmem>> -> memref<128xi32, #tpu.memory_space<vmem>>
      %dma_start3A_93 = arith.constant 0 : i32
      %dma_start3A_94 = arith.constant 0 : i32
      %dma_start3A_95 = tpu.memref_slice %arg7[%dma_start3A_93, %dma_start3A_94] : memref<10240x128xf32, #tpu.memory_space<vmem_shared>> -> memref<10240x128xf32, #tpu.memory_space<vmem_shared>>
      tpu.enqueue_indirect_dma source(%dma_start3A_89 : memref<128x128xf32, #tpu.memory_space<vmem>>) target(%dma_start3A_95 : memref<10240x128xf32, #tpu.memory_space<vmem_shared>>) offsets(%dma_start3A_92 : memref<128xi32, #tpu.memory_space<vmem>>) semaphore(%arg14 : memref<!tpu.dma_semaphore, #tpu.memory_space<semaphore_mem>>) {add = true}
      %dma_wait3A_96 = arith.constant 0 : i32
      %dma_wait3A_97 = arith.constant 0 : i32
      %dma_wait3A_98 = arith.constant 0 : i32
      %dma_wait3A_99 = arith.constant 0 : i32
      %dma_wait3A_100 = tpu.memref_slice %arg10[%dma_wait3A_96, %dma_wait3A_98, %dma_wait3A_99] : memref<2x128x128xf32, #tpu.memory_space<vmem>> -> memref<1x128x128xf32, #tpu.memory_space<vmem>>
      %dma_wait3A_101 = tpu.memref_squeeze %dma_wait3A_100 : memref<1x128x128xf32, #tpu.memory_space<vmem>> -> memref<128x128xf32, #tpu.memory_space<vmem>>
      %dma_wait3A_102 = arith.constant 0 : i32
      %dma_wait3A_103 = tpu.memref_slice %arg9[%dma_wait3A_97, %dma_wait3A_102] : memref<16x128xi32, #tpu.memory_space<vmem>> -> memref<1x128xi32, #tpu.memory_space<vmem>>
      %dma_wait3A_104 = tpu.memref_squeeze %dma_wait3A_103 : memref<1x128xi32, #tpu.memory_space<vmem>> -> memref<128xi32, #tpu.memory_space<vmem>>
      %dma_wait3A_105 = arith.constant 0 : i32
      %dma_wait3A_106 = arith.constant 0 : i32
      %dma_wait3A_107 = tpu.memref_slice %arg7[%dma_wait3A_105, %dma_wait3A_106] : memref<10240x128xf32, #tpu.memory_space<vmem_shared>> -> memref<10240x128xf32, #tpu.memory_space<vmem_shared>>
      tpu.wait_indirect_dma semaphore(%arg13 : memref<!tpu.dma_semaphore, #tpu.memory_space<semaphore_mem>>) src(%dma_wait3A_101 : memref<128x128xf32, #tpu.memory_space<vmem>>) dst(%dma_wait3A_107 : memref<10240x128xf32, #tpu.memory_space<vmem_shared>>)
      %dma_wait3A_108 = arith.constant 1 : i32
      %dma_wait3A_109 = arith.constant 1 : i32
      %dma_wait3A_110 = arith.constant 0 : i32
      %dma_wait3A_111 = arith.constant 0 : i32
      %dma_wait3A_112 = tpu.memref_slice %arg10[%dma_wait3A_108, %dma_wait3A_110, %dma_wait3A_111] : memref<2x128x128xf32, #tpu.memory_space<vmem>> -> memref<1x128x128xf32, #tpu.memory_space<vmem>>
      %dma_wait3A_113 = tpu.memref_squeeze %dma_wait3A_112 : memref<1x128x128xf32, #tpu.memory_space<vmem>> -> memref<128x128xf32, #tpu.memory_space<vmem>>
      %dma_wait3A_114 = arith.constant 0 : i32
      %dma_wait3A_115 = tpu.memref_slice %arg9[%dma_wait3A_109, %dma_wait3A_114] : memref<16x128xi32, #tpu.memory_space<vmem>> -> memref<1x128xi32, #tpu.memory_space<vmem>>
      %dma_wait3A_116 = tpu.memref_squeeze %dma_wait3A_115 : memref<1x128xi32, #tpu.memory_space<vmem>> -> memref<128xi32, #tpu.memory_space<vmem>>
      %dma_wait3A_117 = arith.constant 0 : i32
      %dma_wait3A_118 = arith.constant 0 : i32
      %dma_wait3A_119 = tpu.memref_slice %arg7[%dma_wait3A_117, %dma_wait3A_118] : memref<10240x128xf32, #tpu.memory_space<vmem_shared>> -> memref<10240x128xf32, #tpu.memory_space<vmem_shared>>
      tpu.wait_indirect_dma semaphore(%arg14 : memref<!tpu.dma_semaphore, #tpu.memory_space<semaphore_mem>>) src(%dma_wait3A_113 : memref<128x128xf32, #tpu.memory_space<vmem>>) dst(%dma_wait3A_119 : memref<10240x128xf32, #tpu.memory_space<vmem_shared>>)
      %dma_start3A_120 = arith.constant 2 : i32
      %dma_start3A_121 = arith.constant 0 : i32
      %dma_start3A_122 = arith.constant 0 : i32
      %dma_start3A_123 = arith.constant 0 : i32
      %dma_start3A_124 = tpu.memref_slice %arg10[%dma_start3A_121, %dma_start3A_122, %dma_start3A_123] : memref<2x128x128xf32, #tpu.memory_space<vmem>> -> memref<1x128x128xf32, #tpu.memory_space<vmem>>
      %dma_start3A_125 = tpu.memref_squeeze %dma_start3A_124 : memref<1x128x128xf32, #tpu.memory_space<vmem>> -> memref<128x128xf32, #tpu.memory_space<vmem>>
      %dma_start3A_126 = arith.constant 0 : i32
      %dma_start3A_127 = tpu.memref_slice %arg8[%dma_start3A_120, %dma_start3A_126] : memref<16x128xi32, #tpu.memory_space<vmem>> -> memref<1x128xi32, #tpu.memory_space<vmem>>
      %dma_start3A_128 = tpu.memref_squeeze %dma_start3A_127 : memref<1x128xi32, #tpu.memory_space<vmem>> -> memref<128xi32, #tpu.memory_space<vmem>>
      %dma_start3A_129 = arith.constant 0 : i32
      %dma_start3A_130 = arith.constant 0 : i32
      %dma_start3A_131 = tpu.memref_slice %arg2[%dma_start3A_129, %dma_start3A_130] : memref<10240x128xf32, #tpu.memory_space<hbm>> -> memref<10240x128xf32, #tpu.memory_space<hbm>>
      tpu.enqueue_indirect_dma source(%dma_start3A_131 : memref<10240x128xf32, #tpu.memory_space<hbm>>) target(%dma_start3A_125 : memref<128x128xf32, #tpu.memory_space<vmem>>) offsets(%dma_start3A_128 : memref<128xi32, #tpu.memory_space<vmem>>) semaphore(%arg11 : memref<!tpu.dma_semaphore, #tpu.memory_space<semaphore_mem>>)
      %dma_start3A_132 = arith.constant 3 : i32
      %dma_start3A_133 = arith.constant 1 : i32
      %dma_start3A_134 = arith.constant 0 : i32
      %dma_start3A_135 = arith.constant 0 : i32
      %dma_start3A_136 = tpu.memref_slice %arg10[%dma_start3A_133, %dma_start3A_134, %dma_start3A_135] : memref<2x128x128xf32, #tpu.memory_space<vmem>> -> memref<1x128x128xf32, #tpu.memory_space<vmem>>
      %dma_start3A_137 = tpu.memref_squeeze %dma_start3A_136 : memref<1x128x128xf32, #tpu.memory_space<vmem>> -> memref<128x128xf32, #tpu.memory_space<vmem>>
      %dma_start3A_138 = arith.constant 0 : i32
      %dma_start3A_139 = tpu.memref_slice %arg8[%dma_start3A_132, %dma_start3A_138] : memref<16x128xi32, #tpu.memory_space<vmem>> -> memref<1x128xi32, #tpu.memory_space<vmem>>
      %dma_start3A_140 = tpu.memref_squeeze %dma_start3A_139 : memref<1x128xi32, #tpu.memory_space<vmem>> -> memref<128xi32, #tpu.memory_space<vmem>>
      %dma_start3A_141 = arith.constant 0 : i32
      %dma_start3A_142 = arith.constant 0 : i32
      %dma_start3A_143 = tpu.memref_slice %arg2[%dma_start3A_141, %dma_start3A_142] : memref<10240x128xf32, #tpu.memory_space<hbm>> -> memref<10240x128xf32, #tpu.memory_space<hbm>>
      tpu.enqueue_indirect_dma source(%dma_start3A_143 : memref<10240x128xf32, #tpu.memory_space<hbm>>) target(%dma_start3A_137 : memref<128x128xf32, #tpu.memory_space<vmem>>) offsets(%dma_start3A_140 : memref<128xi32, #tpu.memory_space<vmem>>) semaphore(%arg12 : memref<!tpu.dma_semaphore, #tpu.memory_space<semaphore_mem>>)
      %dma_wait3A_144 = arith.constant 2 : i32
      %dma_wait3A_145 = arith.constant 0 : i32
      %dma_wait3A_146 = arith.constant 0 : i32
      %dma_wait3A_147 = arith.constant 0 : i32
      %dma_wait3A_148 = tpu.memref_slice %arg10[%dma_wait3A_145, %dma_wait3A_146, %dma_wait3A_147] : memref<2x128x128xf32, #tpu.memory_space<vmem>> -> memref<1x128x128xf32, #tpu.memory_space<vmem>>
      %dma_wait3A_149 = tpu.memref_squeeze %dma_wait3A_148 : memref<1x128x128xf32, #tpu.memory_space<vmem>> -> memref<128x128xf32, #tpu.memory_space<vmem>>
      %dma_wait3A_150 = arith.constant 0 : i32
      %dma_wait3A_151 = tpu.memref_slice %arg8[%dma_wait3A_144, %dma_wait3A_150] : memref<16x128xi32, #tpu.memory_space<vmem>> -> memref<1x128xi32, #tpu.memory_space<vmem>>
      %dma_wait3A_152 = tpu.memref_squeeze %dma_wait3A_151 : memref<1x128xi32, #tpu.memory_space<vmem>> -> memref<128xi32, #tpu.memory_space<vmem>>
      %dma_wait3A_153 = arith.constant 0 : i32
      %dma_wait3A_154 = arith.constant 0 : i32
      %dma_wait3A_155 = tpu.memref_slice %arg2[%dma_wait3A_153, %dma_wait3A_154] : memref<10240x128xf32, #tpu.memory_space<hbm>> -> memref<10240x128xf32, #tpu.memory_space<hbm>>
      tpu.wait_indirect_dma semaphore(%arg11 : memref<!tpu.dma_semaphore, #tpu.memory_space<semaphore_mem>>) src(%dma_wait3A_155 : memref<10240x128xf32, #tpu.memory_space<hbm>>) dst(%dma_wait3A_149 : memref<128x128xf32, #tpu.memory_space<vmem>>)
      %dma_start3A_156 = arith.constant 0 : i32
      %dma_start3A_157 = arith.constant 2 : i32
      %dma_start3A_158 = arith.constant 0 : i32
      %dma_start3A_159 = arith.constant 0 : i32
      %dma_start3A_160 = tpu.memref_slice %arg10[%dma_start3A_156, %dma_start3A_158, %dma_start3A_159] : memref<2x128x128xf32, #tpu.memory_space<vmem>> -> memref<1x128x128xf32, #tpu.memory_space<vmem>>
      %dma_start3A_161 = tpu.memref_squeeze %dma_start3A_160 : memref<1x128x128xf32, #tpu.memory_space<vmem>> -> memref<128x128xf32, #tpu.memory_space<vmem>>
      %dma_start3A_162 = arith.constant 0 : i32
      %dma_start3A_163 = tpu.memref_slice %arg9[%dma_start3A_157, %dma_start3A_162] : memref<16x128xi32, #tpu.memory_space<vmem>> -> memref<1x128xi32, #tpu.memory_space<vmem>>
      %dma_start3A_164 = tpu.memref_squeeze %dma_start3A_163 : memref<1x128xi32, #tpu.memory_space<vmem>> -> memref<128xi32, #tpu.memory_space<vmem>>
      %dma_start3A_165 = arith.constant 0 : i32
      %dma_start3A_166 = arith.constant 0 : i32
      %dma_start3A_167 = tpu.memref_slice %arg7[%dma_start3A_165, %dma_start3A_166] : memref<10240x128xf32, #tpu.memory_space<vmem_shared>> -> memref<10240x128xf32, #tpu.memory_space<vmem_shared>>
      tpu.enqueue_indirect_dma source(%dma_start3A_161 : memref<128x128xf32, #tpu.memory_space<vmem>>) target(%dma_start3A_167 : memref<10240x128xf32, #tpu.memory_space<vmem_shared>>) offsets(%dma_start3A_164 : memref<128xi32, #tpu.memory_space<vmem>>) semaphore(%arg13 : memref<!tpu.dma_semaphore, #tpu.memory_space<semaphore_mem>>) {add = true}
      %dma_wait3A_168 = arith.constant 3 : i32
      %dma_wait3A_169 = arith.constant 1 : i32
      %dma_wait3A_170 = arith.constant 0 : i32
      %dma_wait3A_171 = arith.constant 0 : i32
      %dma_wait3A_172 = tpu.memref_slice %arg10[%dma_wait3A_169, %dma_wait3A_170, %dma_wait3A_171] : memref<2x128x128xf32, #tpu.memory_space<vmem>> -> memref<1x128x128xf32, #tpu.memory_space<vmem>>
      %dma_wait3A_173 = tpu.memref_squeeze %dma_wait3A_172 : memref<1x128x128xf32, #tpu.memory_space<vmem>> -> memref<128x128xf32, #tpu.memory_space<vmem>>
      %dma_wait3A_174 = arith.constant 0 : i32
      %dma_wait3A_175 = tpu.memref_slice %arg8[%dma_wait3A_168, %dma_wait3A_174] : memref<16x128xi32, #tpu.memory_space<vmem>> -> memref<1x128xi32, #tpu.memory_space<vmem>>
      %dma_wait3A_176 = tpu.memref_squeeze %dma_wait3A_175 : memref<1x128xi32, #tpu.memory_space<vmem>> -> memref<128xi32, #tpu.memory_space<vmem>>
      %dma_wait3A_177 = arith.constant 0 : i32
      %dma_wait3A_178 = arith.constant 0 : i32
      %dma_wait3A_179 = tpu.memref_slice %arg2[%dma_wait3A_177, %dma_wait3A_178] : memref<10240x128xf32, #tpu.memory_space<hbm>> -> memref<10240x128xf32, #tpu.memory_space<hbm>>
      tpu.wait_indirect_dma semaphore(%arg12 : memref<!tpu.dma_semaphore, #tpu.memory_space<semaphore_mem>>) src(%dma_wait3A_179 : memref<10240x128xf32, #tpu.memory_space<hbm>>) dst(%dma_wait3A_173 : memref<128x128xf32, #tpu.memory_space<vmem>>)
      %dma_start3A_180 = arith.constant 1 : i32
      %dma_start3A_181 = arith.constant 3 : i32
      %dma_start3A_182 = arith.constant 0 : i32
      %dma_start3A_183 = arith.constant 0 : i32
      %dma_start3A_184 = tpu.memref_slice %arg10[%dma_start3A_180, %dma_start3A_182, %dma_start3A_183] : memref<2x128x128xf32, #tpu.memory_space<vmem>> -> memref<1x128x128xf32, #tpu.memory_space<vmem>>
      %dma_start3A_185 = tpu.memref_squeeze %dma_start3A_184 : memref<1x128x128xf32, #tpu.memory_space<vmem>> -> memref<128x128xf32, #tpu.memory_space<vmem>>
      %dma_start3A_186 = arith.constant 0 : i32
      %dma_start3A_187 = tpu.memref_slice %arg9[%dma_start3A_181, %dma_start3A_186] : memref<16x128xi32, #tpu.memory_space<vmem>> -> memref<1x128xi32, #tpu.memory_space<vmem>>
      %dma_start3A_188 = tpu.memref_squeeze %dma_start3A_187 : memref<1x128xi32, #tpu.memory_space<vmem>> -> memref<128xi32, #tpu.memory_space<vmem>>
      %dma_start3A_189 = arith.constant 0 : i32
      %dma_start3A_190 = arith.constant 0 : i32
      %dma_start3A_191 = tpu.memref_slice %arg7[%dma_start3A_189, %dma_start3A_190] : memref<10240x128xf32, #tpu.memory_space<vmem_shared>> -> memref<10240x128xf32, #tpu.memory_space<vmem_shared>>
      tpu.enqueue_indirect_dma source(%dma_start3A_185 : memref<128x128xf32, #tpu.memory_space<vmem>>) target(%dma_start3A_191 : memref<10240x128xf32, #tpu.memory_space<vmem_shared>>) offsets(%dma_start3A_188 : memref<128xi32, #tpu.memory_space<vmem>>) semaphore(%arg14 : memref<!tpu.dma_semaphore, #tpu.memory_space<semaphore_mem>>) {add = true}
      %dma_wait3A_192 = arith.constant 0 : i32
      %dma_wait3A_193 = arith.constant 2 : i32
      %dma_wait3A_194 = arith.constant 0 : i32
      %dma_wait3A_195 = arith.constant 0 : i32
      %dma_wait3A_196 = tpu.memref_slice %arg10[%dma_wait3A_192, %dma_wait3A_194, %dma_wait3A_195] : memref<2x128x128xf32, #tpu.memory_space<vmem>> -> memref<1x128x128xf32, #tpu.memory_space<vmem>>
      %dma_wait3A_197 = tpu.memref_squeeze %dma_wait3A_196 : memref<1x128x128xf32, #tpu.memory_space<vmem>> -> memref<128x128xf32, #tpu.memory_space<vmem>>
      %dma_wait3A_198 = arith.constant 0 : i32
      %dma_wait3A_199 = tpu.memref_slice %arg9[%dma_wait3A_193, %dma_wait3A_198] : memref<16x128xi32, #tpu.memory_space<vmem>> -> memref<1x128xi32, #tpu.memory_space<vmem>>
      %dma_wait3A_200 = tpu.memref_squeeze %dma_wait3A_199 : memref<1x128xi32, #tpu.memory_space<vmem>> -> memref<128xi32, #tpu.memory_space<vmem>>
      %dma_wait3A_201 = arith.constant 0 : i32
      %dma_wait3A_202 = arith.constant 0 : i32
      %dma_wait3A_203 = tpu.memref_slice %arg7[%dma_wait3A_201, %dma_wait3A_202] : memref<10240x128xf32, #tpu.memory_space<vmem_shared>> -> memref<10240x128xf32, #tpu.memory_space<vmem_shared>>
      tpu.wait_indirect_dma semaphore(%arg13 : memref<!tpu.dma_semaphore, #tpu.memory_space<semaphore_mem>>) src(%dma_wait3A_197 : memref<128x128xf32, #tpu.memory_space<vmem>>) dst(%dma_wait3A_203 : memref<10240x128xf32, #tpu.memory_space<vmem_shared>>)
      %dma_wait3A_204 = arith.constant 1 : i32
      %dma_wait3A_205 = arith.constant 3 : i32
      %dma_wait3A_206 = arith.constant 0 : i32
      %dma_wait3A_207 = arith.constant 0 : i32
      %dma_wait3A_208 = tpu.memref_slice %arg10[%dma_wait3A_204, %dma_wait3A_206, %dma_wait3A_207] : memref<2x128x128xf32, #tpu.memory_space<vmem>> -> memref<1x128x128xf32, #tpu.memory_space<vmem>>
      %dma_wait3A_209 = tpu.memref_squeeze %dma_wait3A_208 : memref<1x128x128xf32, #tpu.memory_space<vmem>> -> memref<128x128xf32, #tpu.memory_space<vmem>>
      %dma_wait3A_210 = arith.constant 0 : i32
      %dma_wait3A_211 = tpu.memref_slice %arg9[%dma_wait3A_205, %dma_wait3A_210] : memref<16x128xi32, #tpu.memory_space<vmem>> -> memref<1x128xi32, #tpu.memory_space<vmem>>
      %dma_wait3A_212 = tpu.memref_squeeze %dma_wait3A_211 : memref<1x128xi32, #tpu.memory_space<vmem>> -> memref<128xi32, #tpu.memory_space<vmem>>
      %dma_wait3A_213 = arith.constant 0 : i32
      %dma_wait3A_214 = arith.constant 0 : i32
      %dma_wait3A_215 = tpu.memref_slice %arg7[%dma_wait3A_213, %dma_wait3A_214] : memref<10240x128xf32, #tpu.memory_space<vmem_shared>> -> memref<10240x128xf32, #tpu.memory_space<vmem_shared>>
      tpu.wait_indirect_dma semaphore(%arg14 : memref<!tpu.dma_semaphore, #tpu.memory_space<semaphore_mem>>) src(%dma_wait3A_209 : memref<128x128xf32, #tpu.memory_space<vmem>>) dst(%dma_wait3A_215 : memref<10240x128xf32, #tpu.memory_space<vmem_shared>>)
      %dma_start3A_216 = arith.constant 4 : i32
      %dma_start3A_217 = arith.constant 0 : i32
      %dma_start3A_218 = arith.constant 0 : i32
      %dma_start3A_219 = arith.constant 0 : i32
      %dma_start3A_220 = tpu.memref_slice %arg10[%dma_start3A_217, %dma_start3A_218, %dma_start3A_219] : memref<2x128x128xf32, #tpu.memory_space<vmem>> -> memref<1x128x128xf32, #tpu.memory_space<vmem>>
      %dma_start3A_221 = tpu.memref_squeeze %dma_start3A_220 : memref<1x128x128xf32, #tpu.memory_space<vmem>> -> memref<128x128xf32, #tpu.memory_space<vmem>>
      %dma_start3A_222 = arith.constant 0 : i32
      %dma_start3A_223 = tpu.memref_slice %arg8[%dma_start3A_216, %dma_start3A_222] : memref<16x128xi32, #tpu.memory_space<vmem>> -> memref<1x128xi32, #tpu.memory_space<vmem>>
      %dma_start3A_224 = tpu.memref_squeeze %dma_start3A_223 : memref<1x128xi32, #tpu.memory_space<vmem>> -> memref<128xi32, #tpu.memory_space<vmem>>
      %dma_start3A_225 = arith.constant 0 : i32
      %dma_start3A_226 = arith.constant 0 : i32
      %dma_start3A_227 = tpu.memref_slice %arg2[%dma_start3A_225, %dma_start3A_226] : memref<10240x128xf32, #tpu.memory_space<hbm>> -> memref<10240x128xf32, #tpu.memory_space<hbm>>
      tpu.enqueue_indirect_dma source(%dma_start3A_227 : memref<10240x128xf32, #tpu.memory_space<hbm>>) target(%dma_start3A_221 : memref<128x128xf32, #tpu.memory_space<vmem>>) offsets(%dma_start3A_224 : memref<128xi32, #tpu.memory_space<vmem>>) semaphore(%arg11 : memref<!tpu.dma_semaphore, #tpu.memory_space<semaphore_mem>>)
      %dma_start3A_228 = arith.constant 5 : i32
      %dma_start3A_229 = arith.constant 1 : i32
      %dma_start3A_230 = arith.constant 0 : i32
      %dma_start3A_231 = arith.constant 0 : i32
      %dma_start3A_232 = tpu.memref_slice %arg10[%dma_start3A_229, %dma_start3A_230, %dma_start3A_231] : memref<2x128x128xf32, #tpu.memory_space<vmem>> -> memref<1x128x128xf32, #tpu.memory_space<vmem>>
      %dma_start3A_233 = tpu.memref_squeeze %dma_start3A_232 : memref<1x128x128xf32, #tpu.memory_space<vmem>> -> memref<128x128xf32, #tpu.memory_space<vmem>>
      %dma_start3A_234 = arith.constant 0 : i32
      %dma_start3A_235 = tpu.memref_slice %arg8[%dma_start3A_228, %dma_start3A_234] : memref<16x128xi32, #tpu.memory_space<vmem>> -> memref<1x128xi32, #tpu.memory_space<vmem>>
      %dma_start3A_236 = tpu.memref_squeeze %dma_start3A_235 : memref<1x128xi32, #tpu.memory_space<vmem>> -> memref<128xi32, #tpu.memory_space<vmem>>
      %dma_start3A_237 = arith.constant 0 : i32
      %dma_start3A_238 = arith.constant 0 : i32
      %dma_start3A_239 = tpu.memref_slice %arg2[%dma_start3A_237, %dma_start3A_238] : memref<10240x128xf32, #tpu.memory_space<hbm>> -> memref<10240x128xf32, #tpu.memory_space<hbm>>
      tpu.enqueue_indirect_dma source(%dma_start3A_239 : memref<10240x128xf32, #tpu.memory_space<hbm>>) target(%dma_start3A_233 : memref<128x128xf32, #tpu.memory_space<vmem>>) offsets(%dma_start3A_236 : memref<128xi32, #tpu.memory_space<vmem>>) semaphore(%arg12 : memref<!tpu.dma_semaphore, #tpu.memory_space<semaphore_mem>>)
      %dma_wait3A_240 = arith.constant 4 : i32
      %dma_wait3A_241 = arith.constant 0 : i32
      %dma_wait3A_242 = arith.constant 0 : i32
      %dma_wait3A_243 = arith.constant 0 : i32
      %dma_wait3A_244 = tpu.memref_slice %arg10[%dma_wait3A_241, %dma_wait3A_242, %dma_wait3A_243] : memref<2x128x128xf32, #tpu.memory_space<vmem>> -> memref<1x128x128xf32, #tpu.memory_space<vmem>>
      %dma_wait3A_245 = tpu.memref_squeeze %dma_wait3A_244 : memref<1x128x128xf32, #tpu.memory_space<vmem>> -> memref<128x128xf32, #tpu.memory_space<vmem>>
      %dma_wait3A_246 = arith.constant 0 : i32
      %dma_wait3A_247 = tpu.memref_slice %arg8[%dma_wait3A_240, %dma_wait3A_246] : memref<16x128xi32, #tpu.memory_space<vmem>> -> memref<1x128xi32, #tpu.memory_space<vmem>>
      %dma_wait3A_248 = tpu.memref_squeeze %dma_wait3A_247 : memref<1x128xi32, #tpu.memory_space<vmem>> -> memref<128xi32, #tpu.memory_space<vmem>>
      %dma_wait3A_249 = arith.constant 0 : i32
      %dma_wait3A_250 = arith.constant 0 : i32
      %dma_wait3A_251 = tpu.memref_slice %arg2[%dma_wait3A_249, %dma_wait3A_250] : memref<10240x128xf32, #tpu.memory_space<hbm>> -> memref<10240x128xf32, #tpu.memory_space<hbm>>
      tpu.wait_indirect_dma semaphore(%arg11 : memref<!tpu.dma_semaphore, #tpu.memory_space<semaphore_mem>>) src(%dma_wait3A_251 : memref<10240x128xf32, #tpu.memory_space<hbm>>) dst(%dma_wait3A_245 : memref<128x128xf32, #tpu.memory_space<vmem>>)
      %dma_start3A_252 = arith.constant 0 : i32
      %dma_start3A_253 = arith.constant 4 : i32
      %dma_start3A_254 = arith.constant 0 : i32
      %dma_start3A_255 = arith.constant 0 : i32
      %dma_start3A_256 = tpu.memref_slice %arg10[%dma_start3A_252, %dma_start3A_254, %dma_start3A_255] : memref<2x128x128xf32, #tpu.memory_space<vmem>> -> memref<1x128x128xf32, #tpu.memory_space<vmem>>
      %dma_start3A_257 = tpu.memref_squeeze %dma_start3A_256 : memref<1x128x128xf32, #tpu.memory_space<vmem>> -> memref<128x128xf32, #tpu.memory_space<vmem>>
      %dma_start3A_258 = arith.constant 0 : i32
      %dma_start3A_259 = tpu.memref_slice %arg9[%dma_start3A_253, %dma_start3A_258] : memref<16x128xi32, #tpu.memory_space<vmem>> -> memref<1x128xi32, #tpu.memory_space<vmem>>
      %dma_start3A_260 = tpu.memref_squeeze %dma_start3A_259 : memref<1x128xi32, #tpu.memory_space<vmem>> -> memref<128xi32, #tpu.memory_space<vmem>>
      %dma_start3A_261 = arith.constant 0 : i32
      %dma_start3A_262 = arith.constant 0 : i32
      %dma_start3A_263 = tpu.memref_slice %arg7[%dma_start3A_261, %dma_start3A_262] : memref<10240x128xf32, #tpu.memory_space<vmem_shared>> -> memref<10240x128xf32, #tpu.memory_space<vmem_shared>>
      tpu.enqueue_indirect_dma source(%dma_start3A_257 : memref<128x128xf32, #tpu.memory_space<vmem>>) target(%dma_start3A_263 : memref<10240x128xf32, #tpu.memory_space<vmem_shared>>) offsets(%dma_start3A_260 : memref<128xi32, #tpu.memory_space<vmem>>) semaphore(%arg13 : memref<!tpu.dma_semaphore, #tpu.memory_space<semaphore_mem>>) {add = true}
      %dma_wait3A_264 = arith.constant 5 : i32
      %dma_wait3A_265 = arith.constant 1 : i32
      %dma_wait3A_266 = arith.constant 0 : i32
      %dma_wait3A_267 = arith.constant 0 : i32
      %dma_wait3A_268 = tpu.memref_slice %arg10[%dma_wait3A_265, %dma_wait3A_266, %dma_wait3A_267] : memref<2x128x128xf32, #tpu.memory_space<vmem>> -> memref<1x128x128xf32, #tpu.memory_space<vmem>>
      %dma_wait3A_269 = tpu.memref_squeeze %dma_wait3A_268 : memref<1x128x128xf32, #tpu.memory_space<vmem>> -> memref<128x128xf32, #tpu.memory_space<vmem>>
      %dma_wait3A_270 = arith.constant 0 : i32
      %dma_wait3A_271 = tpu.memref_slice %arg8[%dma_wait3A_264, %dma_wait3A_270] : memref<16x128xi32, #tpu.memory_space<vmem>> -> memref<1x128xi32, #tpu.memory_space<vmem>>
      %dma_wait3A_272 = tpu.memref_squeeze %dma_wait3A_271 : memref<1x128xi32, #tpu.memory_space<vmem>> -> memref<128xi32, #tpu.memory_space<vmem>>
      %dma_wait3A_273 = arith.constant 0 : i32
      %dma_wait3A_274 = arith.constant 0 : i32
      %dma_wait3A_275 = tpu.memref_slice %arg2[%dma_wait3A_273, %dma_wait3A_274] : memref<10240x128xf32, #tpu.memory_space<hbm>> -> memref<10240x128xf32, #tpu.memory_space<hbm>>
      tpu.wait_indirect_dma semaphore(%arg12 : memref<!tpu.dma_semaphore, #tpu.memory_space<semaphore_mem>>) src(%dma_wait3A_275 : memref<10240x128xf32, #tpu.memory_space<hbm>>) dst(%dma_wait3A_269 : memref<128x128xf32, #tpu.memory_space<vmem>>)
      %dma_start3A_276 = arith.constant 1 : i32
      %dma_start3A_277 = arith.constant 5 : i32
      %dma_start3A_278 = arith.constant 0 : i32
      %dma_start3A_279 = arith.constant 0 : i32
      %dma_start3A_280 = tpu.memref_slice %arg10[%dma_start3A_276, %dma_start3A_278, %dma_start3A_279] : memref<2x128x128xf32, #tpu.memory_space<vmem>> -> memref<1x128x128xf32, #tpu.memory_space<vmem>>
      %dma_start3A_281 = tpu.memref_squeeze %dma_start3A_280 : memref<1x128x128xf32, #tpu.memory_space<vmem>> -> memref<128x128xf32, #tpu.memory_space<vmem>>
      %dma_start3A_282 = arith.constant 0 : i32
      %dma_start3A_283 = tpu.memref_slice %arg9[%dma_start3A_277, %dma_start3A_282] : memref<16x128xi32, #tpu.memory_space<vmem>> -> memref<1x128xi32, #tpu.memory_space<vmem>>
      %dma_start3A_284 = tpu.memref_squeeze %dma_start3A_283 : memref<1x128xi32, #tpu.memory_space<vmem>> -> memref<128xi32, #tpu.memory_space<vmem>>
      %dma_start3A_285 = arith.constant 0 : i32
      %dma_start3A_286 = arith.constant 0 : i32
      %dma_start3A_287 = tpu.memref_slice %arg7[%dma_start3A_285, %dma_start3A_286] : memref<10240x128xf32, #tpu.memory_space<vmem_shared>> -> memref<10240x128xf32, #tpu.memory_space<vmem_shared>>
      tpu.enqueue_indirect_dma source(%dma_start3A_281 : memref<128x128xf32, #tpu.memory_space<vmem>>) target(%dma_start3A_287 : memref<10240x128xf32, #tpu.memory_space<vmem_shared>>) offsets(%dma_start3A_284 : memref<128xi32, #tpu.memory_space<vmem>>) semaphore(%arg14 : memref<!tpu.dma_semaphore, #tpu.memory_space<semaphore_mem>>) {add = true}
      %dma_wait3A_288 = arith.constant 0 : i32
      %dma_wait3A_289 = arith.constant 4 : i32
      %dma_wait3A_290 = arith.constant 0 : i32
      %dma_wait3A_291 = arith.constant 0 : i32
      %dma_wait3A_292 = tpu.memref_slice %arg10[%dma_wait3A_288, %dma_wait3A_290, %dma_wait3A_291] : memref<2x128x128xf32, #tpu.memory_space<vmem>> -> memref<1x128x128xf32, #tpu.memory_space<vmem>>
      %dma_wait3A_293 = tpu.memref_squeeze %dma_wait3A_292 : memref<1x128x128xf32, #tpu.memory_space<vmem>> -> memref<128x128xf32, #tpu.memory_space<vmem>>
      %dma_wait3A_294 = arith.constant 0 : i32
      %dma_wait3A_295 = tpu.memref_slice %arg9[%dma_wait3A_289, %dma_wait3A_294] : memref<16x128xi32, #tpu.memory_space<vmem>> -> memref<1x128xi32, #tpu.memory_space<vmem>>
      %dma_wait3A_296 = tpu.memref_squeeze %dma_wait3A_295 : memref<1x128xi32, #tpu.memory_space<vmem>> -> memref<128xi32, #tpu.memory_space<vmem>>
      %dma_wait3A_297 = arith.constant 0 : i32
      %dma_wait3A_298 = arith.constant 0 : i32
      %dma_wait3A_299 = tpu.memref_slice %arg7[%dma_wait3A_297, %dma_wait3A_298] : memref<10240x128xf32, #tpu.memory_space<vmem_shared>> -> memref<10240x128xf32, #tpu.memory_space<vmem_shared>>
      tpu.wait_indirect_dma semaphore(%arg13 : memref<!tpu.dma_semaphore, #tpu.memory_space<semaphore_mem>>) src(%dma_wait3A_293 : memref<128x128xf32, #tpu.memory_space<vmem>>) dst(%dma_wait3A_299 : memref<10240x128xf32, #tpu.memory_space<vmem_shared>>)
      %dma_wait3A_300 = arith.constant 1 : i32
      %dma_wait3A_301 = arith.constant 5 : i32
      %dma_wait3A_302 = arith.constant 0 : i32
      %dma_wait3A_303 = arith.constant 0 : i32
      %dma_wait3A_304 = tpu.memref_slice %arg10[%dma_wait3A_300, %dma_wait3A_302, %dma_wait3A_303] : memref<2x128x128xf32, #tpu.memory_space<vmem>> -> memref<1x128x128xf32, #tpu.memory_space<vmem>>
      %dma_wait3A_305 = tpu.memref_squeeze %dma_wait3A_304 : memref<1x128x128xf32, #tpu.memory_space<vmem>> -> memref<128x128xf32, #tpu.memory_space<vmem>>
      %dma_wait3A_306 = arith.constant 0 : i32
      %dma_wait3A_307 = tpu.memref_slice %arg9[%dma_wait3A_301, %dma_wait3A_306] : memref<16x128xi32, #tpu.memory_space<vmem>> -> memref<1x128xi32, #tpu.memory_space<vmem>>
      %dma_wait3A_308 = tpu.memref_squeeze %dma_wait3A_307 : memref<1x128xi32, #tpu.memory_space<vmem>> -> memref<128xi32, #tpu.memory_space<vmem>>
      %dma_wait3A_309 = arith.constant 0 : i32
      %dma_wait3A_310 = arith.constant 0 : i32
      %dma_wait3A_311 = tpu.memref_slice %arg7[%dma_wait3A_309, %dma_wait3A_310] : memref<10240x128xf32, #tpu.memory_space<vmem_shared>> -> memref<10240x128xf32, #tpu.memory_space<vmem_shared>>
      tpu.wait_indirect_dma semaphore(%arg14 : memref<!tpu.dma_semaphore, #tpu.memory_space<semaphore_mem>>) src(%dma_wait3A_305 : memref<128x128xf32, #tpu.memory_space<vmem>>) dst(%dma_wait3A_311 : memref<10240x128xf32, #tpu.memory_space<vmem_shared>>)
      %dma_start3A_312 = arith.constant 6 : i32
      %dma_start3A_313 = arith.constant 0 : i32
      %dma_start3A_314 = arith.constant 0 : i32
      %dma_start3A_315 = arith.constant 0 : i32
      %dma_start3A_316 = tpu.memref_slice %arg10[%dma_start3A_313, %dma_start3A_314, %dma_start3A_315] : memref<2x128x128xf32, #tpu.memory_space<vmem>> -> memref<1x128x128xf32, #tpu.memory_space<vmem>>
      %dma_start3A_317 = tpu.memref_squeeze %dma_start3A_316 : memref<1x128x128xf32, #tpu.memory_space<vmem>> -> memref<128x128xf32, #tpu.memory_space<vmem>>
      %dma_start3A_318 = arith.constant 0 : i32
      %dma_start3A_319 = tpu.memref_slice %arg8[%dma_start3A_312, %dma_start3A_318] : memref<16x128xi32, #tpu.memory_space<vmem>> -> memref<1x128xi32, #tpu.memory_space<vmem>>
      %dma_start3A_320 = tpu.memref_squeeze %dma_start3A_319 : memref<1x128xi32, #tpu.memory_space<vmem>> -> memref<128xi32, #tpu.memory_space<vmem>>
      %dma_start3A_321 = arith.constant 0 : i32
      %dma_start3A_322 = arith.constant 0 : i32
      %dma_start3A_323 = tpu.memref_slice %arg2[%dma_start3A_321, %dma_start3A_322] : memref<10240x128xf32, #tpu.memory_space<hbm>> -> memref<10240x128xf32, #tpu.memory_space<hbm>>
      tpu.enqueue_indirect_dma source(%dma_start3A_323 : memref<10240x128xf32, #tpu.memory_space<hbm>>) target(%dma_start3A_317 : memref<128x128xf32, #tpu.memory_space<vmem>>) offsets(%dma_start3A_320 : memref<128xi32, #tpu.memory_space<vmem>>) semaphore(%arg11 : memref<!tpu.dma_semaphore, #tpu.memory_space<semaphore_mem>>)
      %dma_start3A_324 = arith.constant 7 : i32
      %dma_start3A_325 = arith.constant 1 : i32
      %dma_start3A_326 = arith.constant 0 : i32
      %dma_start3A_327 = arith.constant 0 : i32
      %dma_start3A_328 = tpu.memref_slice %arg10[%dma_start3A_325, %dma_start3A_326, %dma_start3A_327] : memref<2x128x128xf32, #tpu.memory_space<vmem>> -> memref<1x128x128xf32, #tpu.memory_space<vmem>>
      %dma_start3A_329 = tpu.memref_squeeze %dma_start3A_328 : memref<1x128x128xf32, #tpu.memory_space<vmem>> -> memref<128x128xf32, #tpu.memory_space<vmem>>
      %dma_start3A_330 = arith.constant 0 : i32
      %dma_start3A_331 = tpu.memref_slice %arg8[%dma_start3A_324, %dma_start3A_330] : memref<16x128xi32, #tpu.memory_space<vmem>> -> memref<1x128xi32, #tpu.memory_space<vmem>>
      %dma_start3A_332 = tpu.memref_squeeze %dma_start3A_331 : memref<1x128xi32, #tpu.memory_space<vmem>> -> memref<128xi32, #tpu.memory_space<vmem>>
      %dma_start3A_333 = arith.constant 0 : i32
      %dma_start3A_334 = arith.constant 0 : i32
      %dma_start3A_335 = tpu.memref_slice %arg2[%dma_start3A_333, %dma_start3A_334] : memref<10240x128xf32, #tpu.memory_space<hbm>> -> memref<10240x128xf32, #tpu.memory_space<hbm>>
      tpu.enqueue_indirect_dma source(%dma_start3A_335 : memref<10240x128xf32, #tpu.memory_space<hbm>>) target(%dma_start3A_329 : memref<128x128xf32, #tpu.memory_space<vmem>>) offsets(%dma_start3A_332 : memref<128xi32, #tpu.memory_space<vmem>>) semaphore(%arg12 : memref<!tpu.dma_semaphore, #tpu.memory_space<semaphore_mem>>)
      %dma_wait3A_336 = arith.constant 6 : i32
      %dma_wait3A_337 = arith.constant 0 : i32
      %dma_wait3A_338 = arith.constant 0 : i32
      %dma_wait3A_339 = arith.constant 0 : i32
      %dma_wait3A_340 = tpu.memref_slice %arg10[%dma_wait3A_337, %dma_wait3A_338, %dma_wait3A_339] : memref<2x128x128xf32, #tpu.memory_space<vmem>> -> memref<1x128x128xf32, #tpu.memory_space<vmem>>
      %dma_wait3A_341 = tpu.memref_squeeze %dma_wait3A_340 : memref<1x128x128xf32, #tpu.memory_space<vmem>> -> memref<128x128xf32, #tpu.memory_space<vmem>>
      %dma_wait3A_342 = arith.constant 0 : i32
      %dma_wait3A_343 = tpu.memref_slice %arg8[%dma_wait3A_336, %dma_wait3A_342] : memref<16x128xi32, #tpu.memory_space<vmem>> -> memref<1x128xi32, #tpu.memory_space<vmem>>
      %dma_wait3A_344 = tpu.memref_squeeze %dma_wait3A_343 : memref<1x128xi32, #tpu.memory_space<vmem>> -> memref<128xi32, #tpu.memory_space<vmem>>
      %dma_wait3A_345 = arith.constant 0 : i32
      %dma_wait3A_346 = arith.constant 0 : i32
      %dma_wait3A_347 = tpu.memref_slice %arg2[%dma_wait3A_345, %dma_wait3A_346] : memref<10240x128xf32, #tpu.memory_space<hbm>> -> memref<10240x128xf32, #tpu.memory_space<hbm>>
      tpu.wait_indirect_dma semaphore(%arg11 : memref<!tpu.dma_semaphore, #tpu.memory_space<semaphore_mem>>) src(%dma_wait3A_347 : memref<10240x128xf32, #tpu.memory_space<hbm>>) dst(%dma_wait3A_341 : memref<128x128xf32, #tpu.memory_space<vmem>>)
      %dma_start3A_348 = arith.constant 0 : i32
      %dma_start3A_349 = arith.constant 6 : i32
      %dma_start3A_350 = arith.constant 0 : i32
      %dma_start3A_351 = arith.constant 0 : i32
      %dma_start3A_352 = tpu.memref_slice %arg10[%dma_start3A_348, %dma_start3A_350, %dma_start3A_351] : memref<2x128x128xf32, #tpu.memory_space<vmem>> -> memref<1x128x128xf32, #tpu.memory_space<vmem>>
      %dma_start3A_353 = tpu.memref_squeeze %dma_start3A_352 : memref<1x128x128xf32, #tpu.memory_space<vmem>> -> memref<128x128xf32, #tpu.memory_space<vmem>>
      %dma_start3A_354 = arith.constant 0 : i32
      %dma_start3A_355 = tpu.memref_slice %arg9[%dma_start3A_349, %dma_start3A_354] : memref<16x128xi32, #tpu.memory_space<vmem>> -> memref<1x128xi32, #tpu.memory_space<vmem>>
      %dma_start3A_356 = tpu.memref_squeeze %dma_start3A_355 : memref<1x128xi32, #tpu.memory_space<vmem>> -> memref<128xi32, #tpu.memory_space<vmem>>
      %dma_start3A_357 = arith.constant 0 : i32
      %dma_start3A_358 = arith.constant 0 : i32
      %dma_start3A_359 = tpu.memref_slice %arg7[%dma_start3A_357, %dma_start3A_358] : memref<10240x128xf32, #tpu.memory_space<vmem_shared>> -> memref<10240x128xf32, #tpu.memory_space<vmem_shared>>
      tpu.enqueue_indirect_dma source(%dma_start3A_353 : memref<128x128xf32, #tpu.memory_space<vmem>>) target(%dma_start3A_359 : memref<10240x128xf32, #tpu.memory_space<vmem_shared>>) offsets(%dma_start3A_356 : memref<128xi32, #tpu.memory_space<vmem>>) semaphore(%arg13 : memref<!tpu.dma_semaphore, #tpu.memory_space<semaphore_mem>>) {add = true}
      %dma_wait3A_360 = arith.constant 7 : i32
      %dma_wait3A_361 = arith.constant 1 : i32
      %dma_wait3A_362 = arith.constant 0 : i32
      %dma_wait3A_363 = arith.constant 0 : i32
      %dma_wait3A_364 = tpu.memref_slice %arg10[%dma_wait3A_361, %dma_wait3A_362, %dma_wait3A_363] : memref<2x128x128xf32, #tpu.memory_space<vmem>> -> memref<1x128x128xf32, #tpu.memory_space<vmem>>
      %dma_wait3A_365 = tpu.memref_squeeze %dma_wait3A_364 : memref<1x128x128xf32, #tpu.memory_space<vmem>> -> memref<128x128xf32, #tpu.memory_space<vmem>>
      %dma_wait3A_366 = arith.constant 0 : i32
      %dma_wait3A_367 = tpu.memref_slice %arg8[%dma_wait3A_360, %dma_wait3A_366] : memref<16x128xi32, #tpu.memory_space<vmem>> -> memref<1x128xi32, #tpu.memory_space<vmem>>
      %dma_wait3A_368 = tpu.memref_squeeze %dma_wait3A_367 : memref<1x128xi32, #tpu.memory_space<vmem>> -> memref<128xi32, #tpu.memory_space<vmem>>
      %dma_wait3A_369 = arith.constant 0 : i32
      %dma_wait3A_370 = arith.constant 0 : i32
      %dma_wait3A_371 = tpu.memref_slice %arg2[%dma_wait3A_369, %dma_wait3A_370] : memref<10240x128xf32, #tpu.memory_space<hbm>> -> memref<10240x128xf32, #tpu.memory_space<hbm>>
      tpu.wait_indirect_dma semaphore(%arg12 : memref<!tpu.dma_semaphore, #tpu.memory_space<semaphore_mem>>) src(%dma_wait3A_371 : memref<10240x128xf32, #tpu.memory_space<hbm>>) dst(%dma_wait3A_365 : memref<128x128xf32, #tpu.memory_space<vmem>>)
      %dma_start3A_372 = arith.constant 1 : i32
      %dma_start3A_373 = arith.constant 7 : i32
      %dma_start3A_374 = arith.constant 0 : i32
      %dma_start3A_375 = arith.constant 0 : i32
      %dma_start3A_376 = tpu.memref_slice %arg10[%dma_start3A_372, %dma_start3A_374, %dma_start3A_375] : memref<2x128x128xf32, #tpu.memory_space<vmem>> -> memref<1x128x128xf32, #tpu.memory_space<vmem>>
      %dma_start3A_377 = tpu.memref_squeeze %dma_start3A_376 : memref<1x128x128xf32, #tpu.memory_space<vmem>> -> memref<128x128xf32, #tpu.memory_space<vmem>>
      %dma_start3A_378 = arith.constant 0 : i32
      %dma_start3A_379 = tpu.memref_slice %arg9[%dma_start3A_373, %dma_start3A_378] : memref<16x128xi32, #tpu.memory_space<vmem>> -> memref<1x128xi32, #tpu.memory_space<vmem>>
      %dma_start3A_380 = tpu.memref_squeeze %dma_start3A_379 : memref<1x128xi32, #tpu.memory_space<vmem>> -> memref<128xi32, #tpu.memory_space<vmem>>
      %dma_start3A_381 = arith.constant 0 : i32
      %dma_start3A_382 = arith.constant 0 : i32
      %dma_start3A_383 = tpu.memref_slice %arg7[%dma_start3A_381, %dma_start3A_382] : memref<10240x128xf32, #tpu.memory_space<vmem_shared>> -> memref<10240x128xf32, #tpu.memory_space<vmem_shared>>
      tpu.enqueue_indirect_dma source(%dma_start3A_377 : memref<128x128xf32, #tpu.memory_space<vmem>>) target(%dma_start3A_383 : memref<10240x128xf32, #tpu.memory_space<vmem_shared>>) offsets(%dma_start3A_380 : memref<128xi32, #tpu.memory_space<vmem>>) semaphore(%arg14 : memref<!tpu.dma_semaphore, #tpu.memory_space<semaphore_mem>>) {add = true}
      %dma_wait3A_384 = arith.constant 0 : i32
      %dma_wait3A_385 = arith.constant 6 : i32
      %dma_wait3A_386 = arith.constant 0 : i32
      %dma_wait3A_387 = arith.constant 0 : i32
      %dma_wait3A_388 = tpu.memref_slice %arg10[%dma_wait3A_384, %dma_wait3A_386, %dma_wait3A_387] : memref<2x128x128xf32, #tpu.memory_space<vmem>> -> memref<1x128x128xf32, #tpu.memory_space<vmem>>
      %dma_wait3A_389 = tpu.memref_squeeze %dma_wait3A_388 : memref<1x128x128xf32, #tpu.memory_space<vmem>> -> memref<128x128xf32, #tpu.memory_space<vmem>>
      %dma_wait3A_390 = arith.constant 0 : i32
      %dma_wait3A_391 = tpu.memref_slice %arg9[%dma_wait3A_385, %dma_wait3A_390] : memref<16x128xi32, #tpu.memory_space<vmem>> -> memref<1x128xi32, #tpu.memory_space<vmem>>
      %dma_wait3A_392 = tpu.memref_squeeze %dma_wait3A_391 : memref<1x128xi32, #tpu.memory_space<vmem>> -> memref<128xi32, #tpu.memory_space<vmem>>
      %dma_wait3A_393 = arith.constant 0 : i32
      %dma_wait3A_394 = arith.constant 0 : i32
      %dma_wait3A_395 = tpu.memref_slice %arg7[%dma_wait3A_393, %dma_wait3A_394] : memref<10240x128xf32, #tpu.memory_space<vmem_shared>> -> memref<10240x128xf32, #tpu.memory_space<vmem_shared>>
      tpu.wait_indirect_dma semaphore(%arg13 : memref<!tpu.dma_semaphore, #tpu.memory_space<semaphore_mem>>) src(%dma_wait3A_389 : memref<128x128xf32, #tpu.memory_space<vmem>>) dst(%dma_wait3A_395 : memref<10240x128xf32, #tpu.memory_space<vmem_shared>>)
      %dma_wait3A_396 = arith.constant 1 : i32
      %dma_wait3A_397 = arith.constant 7 : i32
      %dma_wait3A_398 = arith.constant 0 : i32
      %dma_wait3A_399 = arith.constant 0 : i32
      %dma_wait3A_400 = tpu.memref_slice %arg10[%dma_wait3A_396, %dma_wait3A_398, %dma_wait3A_399] : memref<2x128x128xf32, #tpu.memory_space<vmem>> -> memref<1x128x128xf32, #tpu.memory_space<vmem>>
      %dma_wait3A_401 = tpu.memref_squeeze %dma_wait3A_400 : memref<1x128x128xf32, #tpu.memory_space<vmem>> -> memref<128x128xf32, #tpu.memory_space<vmem>>
      %dma_wait3A_402 = arith.constant 0 : i32
      %dma_wait3A_403 = tpu.memref_slice %arg9[%dma_wait3A_397, %dma_wait3A_402] : memref<16x128xi32, #tpu.memory_space<vmem>> -> memref<1x128xi32, #tpu.memory_space<vmem>>
      %dma_wait3A_404 = tpu.memref_squeeze %dma_wait3A_403 : memref<1x128xi32, #tpu.memory_space<vmem>> -> memref<128xi32, #tpu.memory_space<vmem>>
      %dma_wait3A_405 = arith.constant 0 : i32
      %dma_wait3A_406 = arith.constant 0 : i32
      %dma_wait3A_407 = tpu.memref_slice %arg7[%dma_wait3A_405, %dma_wait3A_406] : memref<10240x128xf32, #tpu.memory_space<vmem_shared>> -> memref<10240x128xf32, #tpu.memory_space<vmem_shared>>
      tpu.wait_indirect_dma semaphore(%arg14 : memref<!tpu.dma_semaphore, #tpu.memory_space<semaphore_mem>>) src(%dma_wait3A_401 : memref<128x128xf32, #tpu.memory_space<vmem>>) dst(%dma_wait3A_407 : memref<10240x128xf32, #tpu.memory_space<vmem_shared>>)
      %dma_start3A_408 = arith.constant 8 : i32
      %dma_start3A_409 = arith.constant 0 : i32
      %dma_start3A_410 = arith.constant 0 : i32
      %dma_start3A_411 = arith.constant 0 : i32
      %dma_start3A_412 = tpu.memref_slice %arg10[%dma_start3A_409, %dma_start3A_410, %dma_start3A_411] : memref<2x128x128xf32, #tpu.memory_space<vmem>> -> memref<1x128x128xf32, #tpu.memory_space<vmem>>
      %dma_start3A_413 = tpu.memref_squeeze %dma_start3A_412 : memref<1x128x128xf32, #tpu.memory_space<vmem>> -> memref<128x128xf32, #tpu.memory_space<vmem>>
      %dma_start3A_414 = arith.constant 0 : i32
      %dma_start3A_415 = tpu.memref_slice %arg8[%dma_start3A_408, %dma_start3A_414] : memref<16x128xi32, #tpu.memory_space<vmem>> -> memref<1x128xi32, #tpu.memory_space<vmem>>
      %dma_start3A_416 = tpu.memref_squeeze %dma_start3A_415 : memref<1x128xi32, #tpu.memory_space<vmem>> -> memref<128xi32, #tpu.memory_space<vmem>>
      %dma_start3A_417 = arith.constant 0 : i32
      %dma_start3A_418 = arith.constant 0 : i32
      %dma_start3A_419 = tpu.memref_slice %arg2[%dma_start3A_417, %dma_start3A_418] : memref<10240x128xf32, #tpu.memory_space<hbm>> -> memref<10240x128xf32, #tpu.memory_space<hbm>>
      tpu.enqueue_indirect_dma source(%dma_start3A_419 : memref<10240x128xf32, #tpu.memory_space<hbm>>) target(%dma_start3A_413 : memref<128x128xf32, #tpu.memory_space<vmem>>) offsets(%dma_start3A_416 : memref<128xi32, #tpu.memory_space<vmem>>) semaphore(%arg11 : memref<!tpu.dma_semaphore, #tpu.memory_space<semaphore_mem>>)
      %dma_start3A_420 = arith.constant 9 : i32
      %dma_start3A_421 = arith.constant 1 : i32
      %dma_start3A_422 = arith.constant 0 : i32
      %dma_start3A_423 = arith.constant 0 : i32
      %dma_start3A_424 = tpu.memref_slice %arg10[%dma_start3A_421, %dma_start3A_422, %dma_start3A_423] : memref<2x128x128xf32, #tpu.memory_space<vmem>> -> memref<1x128x128xf32, #tpu.memory_space<vmem>>
      %dma_start3A_425 = tpu.memref_squeeze %dma_start3A_424 : memref<1x128x128xf32, #tpu.memory_space<vmem>> -> memref<128x128xf32, #tpu.memory_space<vmem>>
      %dma_start3A_426 = arith.constant 0 : i32
      %dma_start3A_427 = tpu.memref_slice %arg8[%dma_start3A_420, %dma_start3A_426] : memref<16x128xi32, #tpu.memory_space<vmem>> -> memref<1x128xi32, #tpu.memory_space<vmem>>
      %dma_start3A_428 = tpu.memref_squeeze %dma_start3A_427 : memref<1x128xi32, #tpu.memory_space<vmem>> -> memref<128xi32, #tpu.memory_space<vmem>>
      %dma_start3A_429 = arith.constant 0 : i32
      %dma_start3A_430 = arith.constant 0 : i32
      %dma_start3A_431 = tpu.memref_slice %arg2[%dma_start3A_429, %dma_start3A_430] : memref<10240x128xf32, #tpu.memory_space<hbm>> -> memref<10240x128xf32, #tpu.memory_space<hbm>>
      tpu.enqueue_indirect_dma source(%dma_start3A_431 : memref<10240x128xf32, #tpu.memory_space<hbm>>) target(%dma_start3A_425 : memref<128x128xf32, #tpu.memory_space<vmem>>) offsets(%dma_start3A_428 : memref<128xi32, #tpu.memory_space<vmem>>) semaphore(%arg12 : memref<!tpu.dma_semaphore, #tpu.memory_space<semaphore_mem>>)
      %dma_wait3A_432 = arith.constant 8 : i32
      %dma_wait3A_433 = arith.constant 0 : i32
      %dma_wait3A_434 = arith.constant 0 : i32
      %dma_wait3A_435 = arith.constant 0 : i32
      %dma_wait3A_436 = tpu.memref_slice %arg10[%dma_wait3A_433, %dma_wait3A_434, %dma_wait3A_435] : memref<2x128x128xf32, #tpu.memory_space<vmem>> -> memref<1x128x128xf32, #tpu.memory_space<vmem>>
      %dma_wait3A_437 = tpu.memref_squeeze %dma_wait3A_436 : memref<1x128x128xf32, #tpu.memory_space<vmem>> -> memref<128x128xf32, #tpu.memory_space<vmem>>
      %dma_wait3A_438 = arith.constant 0 : i32
      %dma_wait3A_439 = tpu.memref_slice %arg8[%dma_wait3A_432, %dma_wait3A_438] : memref<16x128xi32, #tpu.memory_space<vmem>> -> memref<1x128xi32, #tpu.memory_space<vmem>>
      %dma_wait3A_440 = tpu.memref_squeeze %dma_wait3A_439 : memref<1x128xi32, #tpu.memory_space<vmem>> -> memref<128xi32, #tpu.memory_space<vmem>>
      %dma_wait3A_441 = arith.constant 0 : i32
      %dma_wait3A_442 = arith.constant 0 : i32
      %dma_wait3A_443 = tpu.memref_slice %arg2[%dma_wait3A_441, %dma_wait3A_442] : memref<10240x128xf32, #tpu.memory_space<hbm>> -> memref<10240x128xf32, #tpu.memory_space<hbm>>
      tpu.wait_indirect_dma semaphore(%arg11 : memref<!tpu.dma_semaphore, #tpu.memory_space<semaphore_mem>>) src(%dma_wait3A_443 : memref<10240x128xf32, #tpu.memory_space<hbm>>) dst(%dma_wait3A_437 : memref<128x128xf32, #tpu.memory_space<vmem>>)
      %dma_start3A_444 = arith.constant 0 : i32
      %dma_start3A_445 = arith.constant 8 : i32
      %dma_start3A_446 = arith.constant 0 : i32
      %dma_start3A_447 = arith.constant 0 : i32
      %dma_start3A_448 = tpu.memref_slice %arg10[%dma_start3A_444, %dma_start3A_446, %dma_start3A_447] : memref<2x128x128xf32, #tpu.memory_space<vmem>> -> memref<1x128x128xf32, #tpu.memory_space<vmem>>
      %dma_start3A_449 = tpu.memref_squeeze %dma_start3A_448 : memref<1x128x128xf32, #tpu.memory_space<vmem>> -> memref<128x128xf32, #tpu.memory_space<vmem>>
      %dma_start3A_450 = arith.constant 0 : i32
      %dma_start3A_451 = tpu.memref_slice %arg9[%dma_start3A_445, %dma_start3A_450] : memref<16x128xi32, #tpu.memory_space<vmem>> -> memref<1x128xi32, #tpu.memory_space<vmem>>
      %dma_start3A_452 = tpu.memref_squeeze %dma_start3A_451 : memref<1x128xi32, #tpu.memory_space<vmem>> -> memref<128xi32, #tpu.memory_space<vmem>>
      %dma_start3A_453 = arith.constant 0 : i32
      %dma_start3A_454 = arith.constant 0 : i32
      %dma_start3A_455 = tpu.memref_slice %arg7[%dma_start3A_453, %dma_start3A_454] : memref<10240x128xf32, #tpu.memory_space<vmem_shared>> -> memref<10240x128xf32, #tpu.memory_space<vmem_shared>>
      tpu.enqueue_indirect_dma source(%dma_start3A_449 : memref<128x128xf32, #tpu.memory_space<vmem>>) target(%dma_start3A_455 : memref<10240x128xf32, #tpu.memory_space<vmem_shared>>) offsets(%dma_start3A_452 : memref<128xi32, #tpu.memory_space<vmem>>) semaphore(%arg13 : memref<!tpu.dma_semaphore, #tpu.memory_space<semaphore_mem>>) {add = true}
      %dma_wait3A_456 = arith.constant 9 : i32
      %dma_wait3A_457 = arith.constant 1 : i32
      %dma_wait3A_458 = arith.constant 0 : i32
      %dma_wait3A_459 = arith.constant 0 : i32
      %dma_wait3A_460 = tpu.memref_slice %arg10[%dma_wait3A_457, %dma_wait3A_458, %dma_wait3A_459] : memref<2x128x128xf32, #tpu.memory_space<vmem>> -> memref<1x128x128xf32, #tpu.memory_space<vmem>>
      %dma_wait3A_461 = tpu.memref_squeeze %dma_wait3A_460 : memref<1x128x128xf32, #tpu.memory_space<vmem>> -> memref<128x128xf32, #tpu.memory_space<vmem>>
      %dma_wait3A_462 = arith.constant 0 : i32
      %dma_wait3A_463 = tpu.memref_slice %arg8[%dma_wait3A_456, %dma_wait3A_462] : memref<16x128xi32, #tpu.memory_space<vmem>> -> memref<1x128xi32, #tpu.memory_space<vmem>>
      %dma_wait3A_464 = tpu.memref_squeeze %dma_wait3A_463 : memref<1x128xi32, #tpu.memory_space<vmem>> -> memref<128xi32, #tpu.memory_space<vmem>>
      %dma_wait3A_465 = arith.constant 0 : i32
      %dma_wait3A_466 = arith.constant 0 : i32
      %dma_wait3A_467 = tpu.memref_slice %arg2[%dma_wait3A_465, %dma_wait3A_466] : memref<10240x128xf32, #tpu.memory_space<hbm>> -> memref<10240x128xf32, #tpu.memory_space<hbm>>
      tpu.wait_indirect_dma semaphore(%arg12 : memref<!tpu.dma_semaphore, #tpu.memory_space<semaphore_mem>>) src(%dma_wait3A_467 : memref<10240x128xf32, #tpu.memory_space<hbm>>) dst(%dma_wait3A_461 : memref<128x128xf32, #tpu.memory_space<vmem>>)
      %dma_start3A_468 = arith.constant 1 : i32
      %dma_start3A_469 = arith.constant 9 : i32
      %dma_start3A_470 = arith.constant 0 : i32
      %dma_start3A_471 = arith.constant 0 : i32
      %dma_start3A_472 = tpu.memref_slice %arg10[%dma_start3A_468, %dma_start3A_470, %dma_start3A_471] : memref<2x128x128xf32, #tpu.memory_space<vmem>> -> memref<1x128x128xf32, #tpu.memory_space<vmem>>
      %dma_start3A_473 = tpu.memref_squeeze %dma_start3A_472 : memref<1x128x128xf32, #tpu.memory_space<vmem>> -> memref<128x128xf32, #tpu.memory_space<vmem>>
      %dma_start3A_474 = arith.constant 0 : i32
      %dma_start3A_475 = tpu.memref_slice %arg9[%dma_start3A_469, %dma_start3A_474] : memref<16x128xi32, #tpu.memory_space<vmem>> -> memref<1x128xi32, #tpu.memory_space<vmem>>
      %dma_start3A_476 = tpu.memref_squeeze %dma_start3A_475 : memref<1x128xi32, #tpu.memory_space<vmem>> -> memref<128xi32, #tpu.memory_space<vmem>>
      %dma_start3A_477 = arith.constant 0 : i32
      %dma_start3A_478 = arith.constant 0 : i32
      %dma_start3A_479 = tpu.memref_slice %arg7[%dma_start3A_477, %dma_start3A_478] : memref<10240x128xf32, #tpu.memory_space<vmem_shared>> -> memref<10240x128xf32, #tpu.memory_space<vmem_shared>>
      tpu.enqueue_indirect_dma source(%dma_start3A_473 : memref<128x128xf32, #tpu.memory_space<vmem>>) target(%dma_start3A_479 : memref<10240x128xf32, #tpu.memory_space<vmem_shared>>) offsets(%dma_start3A_476 : memref<128xi32, #tpu.memory_space<vmem>>) semaphore(%arg14 : memref<!tpu.dma_semaphore, #tpu.memory_space<semaphore_mem>>) {add = true}
      %dma_wait3A_480 = arith.constant 0 : i32
      %dma_wait3A_481 = arith.constant 8 : i32
      %dma_wait3A_482 = arith.constant 0 : i32
      %dma_wait3A_483 = arith.constant 0 : i32
      %dma_wait3A_484 = tpu.memref_slice %arg10[%dma_wait3A_480, %dma_wait3A_482, %dma_wait3A_483] : memref<2x128x128xf32, #tpu.memory_space<vmem>> -> memref<1x128x128xf32, #tpu.memory_space<vmem>>
      %dma_wait3A_485 = tpu.memref_squeeze %dma_wait3A_484 : memref<1x128x128xf32, #tpu.memory_space<vmem>> -> memref<128x128xf32, #tpu.memory_space<vmem>>
      %dma_wait3A_486 = arith.constant 0 : i32
      %dma_wait3A_487 = tpu.memref_slice %arg9[%dma_wait3A_481, %dma_wait3A_486] : memref<16x128xi32, #tpu.memory_space<vmem>> -> memref<1x128xi32, #tpu.memory_space<vmem>>
      %dma_wait3A_488 = tpu.memref_squeeze %dma_wait3A_487 : memref<1x128xi32, #tpu.memory_space<vmem>> -> memref<128xi32, #tpu.memory_space<vmem>>
      %dma_wait3A_489 = arith.constant 0 : i32
      %dma_wait3A_490 = arith.constant 0 : i32
      %dma_wait3A_491 = tpu.memref_slice %arg7[%dma_wait3A_489, %dma_wait3A_490] : memref<10240x128xf32, #tpu.memory_space<vmem_shared>> -> memref<10240x128xf32, #tpu.memory_space<vmem_shared>>
      tpu.wait_indirect_dma semaphore(%arg13 : memref<!tpu.dma_semaphore, #tpu.memory_space<semaphore_mem>>) src(%dma_wait3A_485 : memref<128x128xf32, #tpu.memory_space<vmem>>) dst(%dma_wait3A_491 : memref<10240x128xf32, #tpu.memory_space<vmem_shared>>)
      %dma_wait3A_492 = arith.constant 1 : i32
      %dma_wait3A_493 = arith.constant 9 : i32
      %dma_wait3A_494 = arith.constant 0 : i32
      %dma_wait3A_495 = arith.constant 0 : i32
      %dma_wait3A_496 = tpu.memref_slice %arg10[%dma_wait3A_492, %dma_wait3A_494, %dma_wait3A_495] : memref<2x128x128xf32, #tpu.memory_space<vmem>> -> memref<1x128x128xf32, #tpu.memory_space<vmem>>
      %dma_wait3A_497 = tpu.memref_squeeze %dma_wait3A_496 : memref<1x128x128xf32, #tpu.memory_space<vmem>> -> memref<128x128xf32, #tpu.memory_space<vmem>>
      %dma_wait3A_498 = arith.constant 0 : i32
      %dma_wait3A_499 = tpu.memref_slice %arg9[%dma_wait3A_493, %dma_wait3A_498] : memref<16x128xi32, #tpu.memory_space<vmem>> -> memref<1x128xi32, #tpu.memory_space<vmem>>
      %dma_wait3A_500 = tpu.memref_squeeze %dma_wait3A_499 : memref<1x128xi32, #tpu.memory_space<vmem>> -> memref<128xi32, #tpu.memory_space<vmem>>
      %dma_wait3A_501 = arith.constant 0 : i32
      %dma_wait3A_502 = arith.constant 0 : i32
      %dma_wait3A_503 = tpu.memref_slice %arg7[%dma_wait3A_501, %dma_wait3A_502] : memref<10240x128xf32, #tpu.memory_space<vmem_shared>> -> memref<10240x128xf32, #tpu.memory_space<vmem_shared>>
      tpu.wait_indirect_dma semaphore(%arg14 : memref<!tpu.dma_semaphore, #tpu.memory_space<semaphore_mem>>) src(%dma_wait3A_497 : memref<128x128xf32, #tpu.memory_space<vmem>>) dst(%dma_wait3A_503 : memref<10240x128xf32, #tpu.memory_space<vmem_shared>>)
      %dma_start3A_504 = arith.constant 10 : i32
      %dma_start3A_505 = arith.constant 0 : i32
      %dma_start3A_506 = arith.constant 0 : i32
      %dma_start3A_507 = arith.constant 0 : i32
      %dma_start3A_508 = tpu.memref_slice %arg10[%dma_start3A_505, %dma_start3A_506, %dma_start3A_507] : memref<2x128x128xf32, #tpu.memory_space<vmem>> -> memref<1x128x128xf32, #tpu.memory_space<vmem>>
      %dma_start3A_509 = tpu.memref_squeeze %dma_start3A_508 : memref<1x128x128xf32, #tpu.memory_space<vmem>> -> memref<128x128xf32, #tpu.memory_space<vmem>>
      %dma_start3A_510 = arith.constant 0 : i32
      %dma_start3A_511 = tpu.memref_slice %arg8[%dma_start3A_504, %dma_start3A_510] : memref<16x128xi32, #tpu.memory_space<vmem>> -> memref<1x128xi32, #tpu.memory_space<vmem>>
      %dma_start3A_512 = tpu.memref_squeeze %dma_start3A_511 : memref<1x128xi32, #tpu.memory_space<vmem>> -> memref<128xi32, #tpu.memory_space<vmem>>
      %dma_start3A_513 = arith.constant 0 : i32
      %dma_start3A_514 = arith.constant 0 : i32
      %dma_start3A_515 = tpu.memref_slice %arg2[%dma_start3A_513, %dma_start3A_514] : memref<10240x128xf32, #tpu.memory_space<hbm>> -> memref<10240x128xf32, #tpu.memory_space<hbm>>
      tpu.enqueue_indirect_dma source(%dma_start3A_515 : memref<10240x128xf32, #tpu.memory_space<hbm>>) target(%dma_start3A_509 : memref<128x128xf32, #tpu.memory_space<vmem>>) offsets(%dma_start3A_512 : memref<128xi32, #tpu.memory_space<vmem>>) semaphore(%arg11 : memref<!tpu.dma_semaphore, #tpu.memory_space<semaphore_mem>>)
      %dma_start3A_516 = arith.constant 11 : i32
      %dma_start3A_517 = arith.constant 1 : i32
      %dma_start3A_518 = arith.constant 0 : i32
      %dma_start3A_519 = arith.constant 0 : i32
      %dma_start3A_520 = tpu.memref_slice %arg10[%dma_start3A_517, %dma_start3A_518, %dma_start3A_519] : memref<2x128x128xf32, #tpu.memory_space<vmem>> -> memref<1x128x128xf32, #tpu.memory_space<vmem>>
      %dma_start3A_521 = tpu.memref_squeeze %dma_start3A_520 : memref<1x128x128xf32, #tpu.memory_space<vmem>> -> memref<128x128xf32, #tpu.memory_space<vmem>>
      %dma_start3A_522 = arith.constant 0 : i32
      %dma_start3A_523 = tpu.memref_slice %arg8[%dma_start3A_516, %dma_start3A_522] : memref<16x128xi32, #tpu.memory_space<vmem>> -> memref<1x128xi32, #tpu.memory_space<vmem>>
      %dma_start3A_524 = tpu.memref_squeeze %dma_start3A_523 : memref<1x128xi32, #tpu.memory_space<vmem>> -> memref<128xi32, #tpu.memory_space<vmem>>
      %dma_start3A_525 = arith.constant 0 : i32
      %dma_start3A_526 = arith.constant 0 : i32
      %dma_start3A_527 = tpu.memref_slice %arg2[%dma_start3A_525, %dma_start3A_526] : memref<10240x128xf32, #tpu.memory_space<hbm>> -> memref<10240x128xf32, #tpu.memory_space<hbm>>
      tpu.enqueue_indirect_dma source(%dma_start3A_527 : memref<10240x128xf32, #tpu.memory_space<hbm>>) target(%dma_start3A_521 : memref<128x128xf32, #tpu.memory_space<vmem>>) offsets(%dma_start3A_524 : memref<128xi32, #tpu.memory_space<vmem>>) semaphore(%arg12 : memref<!tpu.dma_semaphore, #tpu.memory_space<semaphore_mem>>)
      %dma_wait3A_528 = arith.constant 10 : i32
      %dma_wait3A_529 = arith.constant 0 : i32
      %dma_wait3A_530 = arith.constant 0 : i32
      %dma_wait3A_531 = arith.constant 0 : i32
      %dma_wait3A_532 = tpu.memref_slice %arg10[%dma_wait3A_529, %dma_wait3A_530, %dma_wait3A_531] : memref<2x128x128xf32, #tpu.memory_space<vmem>> -> memref<1x128x128xf32, #tpu.memory_space<vmem>>
      %dma_wait3A_533 = tpu.memref_squeeze %dma_wait3A_532 : memref<1x128x128xf32, #tpu.memory_space<vmem>> -> memref<128x128xf32, #tpu.memory_space<vmem>>
      %dma_wait3A_534 = arith.constant 0 : i32
      %dma_wait3A_535 = tpu.memref_slice %arg8[%dma_wait3A_528, %dma_wait3A_534] : memref<16x128xi32, #tpu.memory_space<vmem>> -> memref<1x128xi32, #tpu.memory_space<vmem>>
      %dma_wait3A_536 = tpu.memref_squeeze %dma_wait3A_535 : memref<1x128xi32, #tpu.memory_space<vmem>> -> memref<128xi32, #tpu.memory_space<vmem>>
      %dma_wait3A_537 = arith.constant 0 : i32
      %dma_wait3A_538 = arith.constant 0 : i32
      %dma_wait3A_539 = tpu.memref_slice %arg2[%dma_wait3A_537, %dma_wait3A_538] : memref<10240x128xf32, #tpu.memory_space<hbm>> -> memref<10240x128xf32, #tpu.memory_space<hbm>>
      tpu.wait_indirect_dma semaphore(%arg11 : memref<!tpu.dma_semaphore, #tpu.memory_space<semaphore_mem>>) src(%dma_wait3A_539 : memref<10240x128xf32, #tpu.memory_space<hbm>>) dst(%dma_wait3A_533 : memref<128x128xf32, #tpu.memory_space<vmem>>)
      %dma_start3A_540 = arith.constant 0 : i32
      %dma_start3A_541 = arith.constant 10 : i32
      %dma_start3A_542 = arith.constant 0 : i32
      %dma_start3A_543 = arith.constant 0 : i32
      %dma_start3A_544 = tpu.memref_slice %arg10[%dma_start3A_540, %dma_start3A_542, %dma_start3A_543] : memref<2x128x128xf32, #tpu.memory_space<vmem>> -> memref<1x128x128xf32, #tpu.memory_space<vmem>>
      %dma_start3A_545 = tpu.memref_squeeze %dma_start3A_544 : memref<1x128x128xf32, #tpu.memory_space<vmem>> -> memref<128x128xf32, #tpu.memory_space<vmem>>
      %dma_start3A_546 = arith.constant 0 : i32
      %dma_start3A_547 = tpu.memref_slice %arg9[%dma_start3A_541, %dma_start3A_546] : memref<16x128xi32, #tpu.memory_space<vmem>> -> memref<1x128xi32, #tpu.memory_space<vmem>>
      %dma_start3A_548 = tpu.memref_squeeze %dma_start3A_547 : memref<1x128xi32, #tpu.memory_space<vmem>> -> memref<128xi32, #tpu.memory_space<vmem>>
      %dma_start3A_549 = arith.constant 0 : i32
      %dma_start3A_550 = arith.constant 0 : i32
      %dma_start3A_551 = tpu.memref_slice %arg7[%dma_start3A_549, %dma_start3A_550] : memref<10240x128xf32, #tpu.memory_space<vmem_shared>> -> memref<10240x128xf32, #tpu.memory_space<vmem_shared>>
      tpu.enqueue_indirect_dma source(%dma_start3A_545 : memref<128x128xf32, #tpu.memory_space<vmem>>) target(%dma_start3A_551 : memref<10240x128xf32, #tpu.memory_space<vmem_shared>>) offsets(%dma_start3A_548 : memref<128xi32, #tpu.memory_space<vmem>>) semaphore(%arg13 : memref<!tpu.dma_semaphore, #tpu.memory_space<semaphore_mem>>) {add = true}
      %dma_wait3A_552 = arith.constant 11 : i32
      %dma_wait3A_553 = arith.constant 1 : i32
      %dma_wait3A_554 = arith.constant 0 : i32
      %dma_wait3A_555 = arith.constant 0 : i32
      %dma_wait3A_556 = tpu.memref_slice %arg10[%dma_wait3A_553, %dma_wait3A_554, %dma_wait3A_555] : memref<2x128x128xf32, #tpu.memory_space<vmem>> -> memref<1x128x128xf32, #tpu.memory_space<vmem>>
      %dma_wait3A_557 = tpu.memref_squeeze %dma_wait3A_556 : memref<1x128x128xf32, #tpu.memory_space<vmem>> -> memref<128x128xf32, #tpu.memory_space<vmem>>
      %dma_wait3A_558 = arith.constant 0 : i32
      %dma_wait3A_559 = tpu.memref_slice %arg8[%dma_wait3A_552, %dma_wait3A_558] : memref<16x128xi32, #tpu.memory_space<vmem>> -> memref<1x128xi32, #tpu.memory_space<vmem>>
      %dma_wait3A_560 = tpu.memref_squeeze %dma_wait3A_559 : memref<1x128xi32, #tpu.memory_space<vmem>> -> memref<128xi32, #tpu.memory_space<vmem>>
      %dma_wait3A_561 = arith.constant 0 : i32
      %dma_wait3A_562 = arith.constant 0 : i32
      %dma_wait3A_563 = tpu.memref_slice %arg2[%dma_wait3A_561, %dma_wait3A_562] : memref<10240x128xf32, #tpu.memory_space<hbm>> -> memref<10240x128xf32, #tpu.memory_space<hbm>>
      tpu.wait_indirect_dma semaphore(%arg12 : memref<!tpu.dma_semaphore, #tpu.memory_space<semaphore_mem>>) src(%dma_wait3A_563 : memref<10240x128xf32, #tpu.memory_space<hbm>>) dst(%dma_wait3A_557 : memref<128x128xf32, #tpu.memory_space<vmem>>)
      %dma_start3A_564 = arith.constant 1 : i32
      %dma_start3A_565 = arith.constant 11 : i32
      %dma_start3A_566 = arith.constant 0 : i32
      %dma_start3A_567 = arith.constant 0 : i32
      %dma_start3A_568 = tpu.memref_slice %arg10[%dma_start3A_564, %dma_start3A_566, %dma_start3A_567] : memref<2x128x128xf32, #tpu.memory_space<vmem>> -> memref<1x128x128xf32, #tpu.memory_space<vmem>>
      %dma_start3A_569 = tpu.memref_squeeze %dma_start3A_568 : memref<1x128x128xf32, #tpu.memory_space<vmem>> -> memref<128x128xf32, #tpu.memory_space<vmem>>
      %dma_start3A_570 = arith.constant 0 : i32
      %dma_start3A_571 = tpu.memref_slice %arg9[%dma_start3A_565, %dma_start3A_570] : memref<16x128xi32, #tpu.memory_space<vmem>> -> memref<1x128xi32, #tpu.memory_space<vmem>>
      %dma_start3A_572 = tpu.memref_squeeze %dma_start3A_571 : memref<1x128xi32, #tpu.memory_space<vmem>> -> memref<128xi32, #tpu.memory_space<vmem>>
      %dma_start3A_573 = arith.constant 0 : i32
      %dma_start3A_574 = arith.constant 0 : i32
      %dma_start3A_575 = tpu.memref_slice %arg7[%dma_start3A_573, %dma_start3A_574] : memref<10240x128xf32, #tpu.memory_space<vmem_shared>> -> memref<10240x128xf32, #tpu.memory_space<vmem_shared>>
      tpu.enqueue_indirect_dma source(%dma_start3A_569 : memref<128x128xf32, #tpu.memory_space<vmem>>) target(%dma_start3A_575 : memref<10240x128xf32, #tpu.memory_space<vmem_shared>>) offsets(%dma_start3A_572 : memref<128xi32, #tpu.memory_space<vmem>>) semaphore(%arg14 : memref<!tpu.dma_semaphore, #tpu.memory_space<semaphore_mem>>) {add = true}
      %dma_wait3A_576 = arith.constant 0 : i32
      %dma_wait3A_577 = arith.constant 10 : i32
      %dma_wait3A_578 = arith.constant 0 : i32
      %dma_wait3A_579 = arith.constant 0 : i32
      %dma_wait3A_580 = tpu.memref_slice %arg10[%dma_wait3A_576, %dma_wait3A_578, %dma_wait3A_579] : memref<2x128x128xf32, #tpu.memory_space<vmem>> -> memref<1x128x128xf32, #tpu.memory_space<vmem>>
      %dma_wait3A_581 = tpu.memref_squeeze %dma_wait3A_580 : memref<1x128x128xf32, #tpu.memory_space<vmem>> -> memref<128x128xf32, #tpu.memory_space<vmem>>
      %dma_wait3A_582 = arith.constant 0 : i32
      %dma_wait3A_583 = tpu.memref_slice %arg9[%dma_wait3A_577, %dma_wait3A_582] : memref<16x128xi32, #tpu.memory_space<vmem>> -> memref<1x128xi32, #tpu.memory_space<vmem>>
      %dma_wait3A_584 = tpu.memref_squeeze %dma_wait3A_583 : memref<1x128xi32, #tpu.memory_space<vmem>> -> memref<128xi32, #tpu.memory_space<vmem>>
      %dma_wait3A_585 = arith.constant 0 : i32
      %dma_wait3A_586 = arith.constant 0 : i32
      %dma_wait3A_587 = tpu.memref_slice %arg7[%dma_wait3A_585, %dma_wait3A_586] : memref<10240x128xf32, #tpu.memory_space<vmem_shared>> -> memref<10240x128xf32, #tpu.memory_space<vmem_shared>>
      tpu.wait_indirect_dma semaphore(%arg13 : memref<!tpu.dma_semaphore, #tpu.memory_space<semaphore_mem>>) src(%dma_wait3A_581 : memref<128x128xf32, #tpu.memory_space<vmem>>) dst(%dma_wait3A_587 : memref<10240x128xf32, #tpu.memory_space<vmem_shared>>)
      %dma_wait3A_588 = arith.constant 1 : i32
      %dma_wait3A_589 = arith.constant 11 : i32
      %dma_wait3A_590 = arith.constant 0 : i32
      %dma_wait3A_591 = arith.constant 0 : i32
      %dma_wait3A_592 = tpu.memref_slice %arg10[%dma_wait3A_588, %dma_wait3A_590, %dma_wait3A_591] : memref<2x128x128xf32, #tpu.memory_space<vmem>> -> memref<1x128x128xf32, #tpu.memory_space<vmem>>
      %dma_wait3A_593 = tpu.memref_squeeze %dma_wait3A_592 : memref<1x128x128xf32, #tpu.memory_space<vmem>> -> memref<128x128xf32, #tpu.memory_space<vmem>>
      %dma_wait3A_594 = arith.constant 0 : i32
      %dma_wait3A_595 = tpu.memref_slice %arg9[%dma_wait3A_589, %dma_wait3A_594] : memref<16x128xi32, #tpu.memory_space<vmem>> -> memref<1x128xi32, #tpu.memory_space<vmem>>
      %dma_wait3A_596 = tpu.memref_squeeze %dma_wait3A_595 : memref<1x128xi32, #tpu.memory_space<vmem>> -> memref<128xi32, #tpu.memory_space<vmem>>
      %dma_wait3A_597 = arith.constant 0 : i32
      %dma_wait3A_598 = arith.constant 0 : i32
      %dma_wait3A_599 = tpu.memref_slice %arg7[%dma_wait3A_597, %dma_wait3A_598] : memref<10240x128xf32, #tpu.memory_space<vmem_shared>> -> memref<10240x128xf32, #tpu.memory_space<vmem_shared>>
      tpu.wait_indirect_dma semaphore(%arg14 : memref<!tpu.dma_semaphore, #tpu.memory_space<semaphore_mem>>) src(%dma_wait3A_593 : memref<128x128xf32, #tpu.memory_space<vmem>>) dst(%dma_wait3A_599 : memref<10240x128xf32, #tpu.memory_space<vmem_shared>>)
      %dma_start3A_600 = arith.constant 12 : i32
      %dma_start3A_601 = arith.constant 0 : i32
      %dma_start3A_602 = arith.constant 0 : i32
      %dma_start3A_603 = arith.constant 0 : i32
      %dma_start3A_604 = tpu.memref_slice %arg10[%dma_start3A_601, %dma_start3A_602, %dma_start3A_603] : memref<2x128x128xf32, #tpu.memory_space<vmem>> -> memref<1x128x128xf32, #tpu.memory_space<vmem>>
      %dma_start3A_605 = tpu.memref_squeeze %dma_start3A_604 : memref<1x128x128xf32, #tpu.memory_space<vmem>> -> memref<128x128xf32, #tpu.memory_space<vmem>>
      %dma_start3A_606 = arith.constant 0 : i32
      %dma_start3A_607 = tpu.memref_slice %arg8[%dma_start3A_600, %dma_start3A_606] : memref<16x128xi32, #tpu.memory_space<vmem>> -> memref<1x128xi32, #tpu.memory_space<vmem>>
      %dma_start3A_608 = tpu.memref_squeeze %dma_start3A_607 : memref<1x128xi32, #tpu.memory_space<vmem>> -> memref<128xi32, #tpu.memory_space<vmem>>
      %dma_start3A_609 = arith.constant 0 : i32
      %dma_start3A_610 = arith.constant 0 : i32
      %dma_start3A_611 = tpu.memref_slice %arg2[%dma_start3A_609, %dma_start3A_610] : memref<10240x128xf32, #tpu.memory_space<hbm>> -> memref<10240x128xf32, #tpu.memory_space<hbm>>
      tpu.enqueue_indirect_dma source(%dma_start3A_611 : memref<10240x128xf32, #tpu.memory_space<hbm>>) target(%dma_start3A_605 : memref<128x128xf32, #tpu.memory_space<vmem>>) offsets(%dma_start3A_608 : memref<128xi32, #tpu.memory_space<vmem>>) semaphore(%arg11 : memref<!tpu.dma_semaphore, #tpu.memory_space<semaphore_mem>>)
      %dma_start3A_612 = arith.constant 13 : i32
      %dma_start3A_613 = arith.constant 1 : i32
      %dma_start3A_614 = arith.constant 0 : i32
      %dma_start3A_615 = arith.constant 0 : i32
      %dma_start3A_616 = tpu.memref_slice %arg10[%dma_start3A_613, %dma_start3A_614, %dma_start3A_615] : memref<2x128x128xf32, #tpu.memory_space<vmem>> -> memref<1x128x128xf32, #tpu.memory_space<vmem>>
      %dma_start3A_617 = tpu.memref_squeeze %dma_start3A_616 : memref<1x128x128xf32, #tpu.memory_space<vmem>> -> memref<128x128xf32, #tpu.memory_space<vmem>>
      %dma_start3A_618 = arith.constant 0 : i32
      %dma_start3A_619 = tpu.memref_slice %arg8[%dma_start3A_612, %dma_start3A_618] : memref<16x128xi32, #tpu.memory_space<vmem>> -> memref<1x128xi32, #tpu.memory_space<vmem>>
      %dma_start3A_620 = tpu.memref_squeeze %dma_start3A_619 : memref<1x128xi32, #tpu.memory_space<vmem>> -> memref<128xi32, #tpu.memory_space<vmem>>
      %dma_start3A_621 = arith.constant 0 : i32
      %dma_start3A_622 = arith.constant 0 : i32
      %dma_start3A_623 = tpu.memref_slice %arg2[%dma_start3A_621, %dma_start3A_622] : memref<10240x128xf32, #tpu.memory_space<hbm>> -> memref<10240x128xf32, #tpu.memory_space<hbm>>
      tpu.enqueue_indirect_dma source(%dma_start3A_623 : memref<10240x128xf32, #tpu.memory_space<hbm>>) target(%dma_start3A_617 : memref<128x128xf32, #tpu.memory_space<vmem>>) offsets(%dma_start3A_620 : memref<128xi32, #tpu.memory_space<vmem>>) semaphore(%arg12 : memref<!tpu.dma_semaphore, #tpu.memory_space<semaphore_mem>>)
      %dma_wait3A_624 = arith.constant 12 : i32
      %dma_wait3A_625 = arith.constant 0 : i32
      %dma_wait3A_626 = arith.constant 0 : i32
      %dma_wait3A_627 = arith.constant 0 : i32
      %dma_wait3A_628 = tpu.memref_slice %arg10[%dma_wait3A_625, %dma_wait3A_626, %dma_wait3A_627] : memref<2x128x128xf32, #tpu.memory_space<vmem>> -> memref<1x128x128xf32, #tpu.memory_space<vmem>>
      %dma_wait3A_629 = tpu.memref_squeeze %dma_wait3A_628 : memref<1x128x128xf32, #tpu.memory_space<vmem>> -> memref<128x128xf32, #tpu.memory_space<vmem>>
      %dma_wait3A_630 = arith.constant 0 : i32
      %dma_wait3A_631 = tpu.memref_slice %arg8[%dma_wait3A_624, %dma_wait3A_630] : memref<16x128xi32, #tpu.memory_space<vmem>> -> memref<1x128xi32, #tpu.memory_space<vmem>>
      %dma_wait3A_632 = tpu.memref_squeeze %dma_wait3A_631 : memref<1x128xi32, #tpu.memory_space<vmem>> -> memref<128xi32, #tpu.memory_space<vmem>>
      %dma_wait3A_633 = arith.constant 0 : i32
      %dma_wait3A_634 = arith.constant 0 : i32
      %dma_wait3A_635 = tpu.memref_slice %arg2[%dma_wait3A_633, %dma_wait3A_634] : memref<10240x128xf32, #tpu.memory_space<hbm>> -> memref<10240x128xf32, #tpu.memory_space<hbm>>
      tpu.wait_indirect_dma semaphore(%arg11 : memref<!tpu.dma_semaphore, #tpu.memory_space<semaphore_mem>>) src(%dma_wait3A_635 : memref<10240x128xf32, #tpu.memory_space<hbm>>) dst(%dma_wait3A_629 : memref<128x128xf32, #tpu.memory_space<vmem>>)
      %dma_start3A_636 = arith.constant 0 : i32
      %dma_start3A_637 = arith.constant 12 : i32
      %dma_start3A_638 = arith.constant 0 : i32
      %dma_start3A_639 = arith.constant 0 : i32
      %dma_start3A_640 = tpu.memref_slice %arg10[%dma_start3A_636, %dma_start3A_638, %dma_start3A_639] : memref<2x128x128xf32, #tpu.memory_space<vmem>> -> memref<1x128x128xf32, #tpu.memory_space<vmem>>
      %dma_start3A_641 = tpu.memref_squeeze %dma_start3A_640 : memref<1x128x128xf32, #tpu.memory_space<vmem>> -> memref<128x128xf32, #tpu.memory_space<vmem>>
      %dma_start3A_642 = arith.constant 0 : i32
      %dma_start3A_643 = tpu.memref_slice %arg9[%dma_start3A_637, %dma_start3A_642] : memref<16x128xi32, #tpu.memory_space<vmem>> -> memref<1x128xi32, #tpu.memory_space<vmem>>
      %dma_start3A_644 = tpu.memref_squeeze %dma_start3A_643 : memref<1x128xi32, #tpu.memory_space<vmem>> -> memref<128xi32, #tpu.memory_space<vmem>>
      %dma_start3A_645 = arith.constant 0 : i32
      %dma_start3A_646 = arith.constant 0 : i32
      %dma_start3A_647 = tpu.memref_slice %arg7[%dma_start3A_645, %dma_start3A_646] : memref<10240x128xf32, #tpu.memory_space<vmem_shared>> -> memref<10240x128xf32, #tpu.memory_space<vmem_shared>>
      tpu.enqueue_indirect_dma source(%dma_start3A_641 : memref<128x128xf32, #tpu.memory_space<vmem>>) target(%dma_start3A_647 : memref<10240x128xf32, #tpu.memory_space<vmem_shared>>) offsets(%dma_start3A_644 : memref<128xi32, #tpu.memory_space<vmem>>) semaphore(%arg13 : memref<!tpu.dma_semaphore, #tpu.memory_space<semaphore_mem>>) {add = true}
      %dma_wait3A_648 = arith.constant 13 : i32
      %dma_wait3A_649 = arith.constant 1 : i32
      %dma_wait3A_650 = arith.constant 0 : i32
      %dma_wait3A_651 = arith.constant 0 : i32
      %dma_wait3A_652 = tpu.memref_slice %arg10[%dma_wait3A_649, %dma_wait3A_650, %dma_wait3A_651] : memref<2x128x128xf32, #tpu.memory_space<vmem>> -> memref<1x128x128xf32, #tpu.memory_space<vmem>>
      %dma_wait3A_653 = tpu.memref_squeeze %dma_wait3A_652 : memref<1x128x128xf32, #tpu.memory_space<vmem>> -> memref<128x128xf32, #tpu.memory_space<vmem>>
      %dma_wait3A_654 = arith.constant 0 : i32
      %dma_wait3A_655 = tpu.memref_slice %arg8[%dma_wait3A_648, %dma_wait3A_654] : memref<16x128xi32, #tpu.memory_space<vmem>> -> memref<1x128xi32, #tpu.memory_space<vmem>>
      %dma_wait3A_656 = tpu.memref_squeeze %dma_wait3A_655 : memref<1x128xi32, #tpu.memory_space<vmem>> -> memref<128xi32, #tpu.memory_space<vmem>>
      %dma_wait3A_657 = arith.constant 0 : i32
      %dma_wait3A_658 = arith.constant 0 : i32
      %dma_wait3A_659 = tpu.memref_slice %arg2[%dma_wait3A_657, %dma_wait3A_658] : memref<10240x128xf32, #tpu.memory_space<hbm>> -> memref<10240x128xf32, #tpu.memory_space<hbm>>
      tpu.wait_indirect_dma semaphore(%arg12 : memref<!tpu.dma_semaphore, #tpu.memory_space<semaphore_mem>>) src(%dma_wait3A_659 : memref<10240x128xf32, #tpu.memory_space<hbm>>) dst(%dma_wait3A_653 : memref<128x128xf32, #tpu.memory_space<vmem>>)
      %dma_start3A_660 = arith.constant 1 : i32
      %dma_start3A_661 = arith.constant 13 : i32
      %dma_start3A_662 = arith.constant 0 : i32
      %dma_start3A_663 = arith.constant 0 : i32
      %dma_start3A_664 = tpu.memref_slice %arg10[%dma_start3A_660, %dma_start3A_662, %dma_start3A_663] : memref<2x128x128xf32, #tpu.memory_space<vmem>> -> memref<1x128x128xf32, #tpu.memory_space<vmem>>
      %dma_start3A_665 = tpu.memref_squeeze %dma_start3A_664 : memref<1x128x128xf32, #tpu.memory_space<vmem>> -> memref<128x128xf32, #tpu.memory_space<vmem>>
      %dma_start3A_666 = arith.constant 0 : i32
      %dma_start3A_667 = tpu.memref_slice %arg9[%dma_start3A_661, %dma_start3A_666] : memref<16x128xi32, #tpu.memory_space<vmem>> -> memref<1x128xi32, #tpu.memory_space<vmem>>
      %dma_start3A_668 = tpu.memref_squeeze %dma_start3A_667 : memref<1x128xi32, #tpu.memory_space<vmem>> -> memref<128xi32, #tpu.memory_space<vmem>>
      %dma_start3A_669 = arith.constant 0 : i32
      %dma_start3A_670 = arith.constant 0 : i32
      %dma_start3A_671 = tpu.memref_slice %arg7[%dma_start3A_669, %dma_start3A_670] : memref<10240x128xf32, #tpu.memory_space<vmem_shared>> -> memref<10240x128xf32, #tpu.memory_space<vmem_shared>>
      tpu.enqueue_indirect_dma source(%dma_start3A_665 : memref<128x128xf32, #tpu.memory_space<vmem>>) target(%dma_start3A_671 : memref<10240x128xf32, #tpu.memory_space<vmem_shared>>) offsets(%dma_start3A_668 : memref<128xi32, #tpu.memory_space<vmem>>) semaphore(%arg14 : memref<!tpu.dma_semaphore, #tpu.memory_space<semaphore_mem>>) {add = true}
      %dma_wait3A_672 = arith.constant 0 : i32
      %dma_wait3A_673 = arith.constant 12 : i32
      %dma_wait3A_674 = arith.constant 0 : i32
      %dma_wait3A_675 = arith.constant 0 : i32
      %dma_wait3A_676 = tpu.memref_slice %arg10[%dma_wait3A_672, %dma_wait3A_674, %dma_wait3A_675] : memref<2x128x128xf32, #tpu.memory_space<vmem>> -> memref<1x128x128xf32, #tpu.memory_space<vmem>>
      %dma_wait3A_677 = tpu.memref_squeeze %dma_wait3A_676 : memref<1x128x128xf32, #tpu.memory_space<vmem>> -> memref<128x128xf32, #tpu.memory_space<vmem>>
      %dma_wait3A_678 = arith.constant 0 : i32
      %dma_wait3A_679 = tpu.memref_slice %arg9[%dma_wait3A_673, %dma_wait3A_678] : memref<16x128xi32, #tpu.memory_space<vmem>> -> memref<1x128xi32, #tpu.memory_space<vmem>>
      %dma_wait3A_680 = tpu.memref_squeeze %dma_wait3A_679 : memref<1x128xi32, #tpu.memory_space<vmem>> -> memref<128xi32, #tpu.memory_space<vmem>>
      %dma_wait3A_681 = arith.constant 0 : i32
      %dma_wait3A_682 = arith.constant 0 : i32
      %dma_wait3A_683 = tpu.memref_slice %arg7[%dma_wait3A_681, %dma_wait3A_682] : memref<10240x128xf32, #tpu.memory_space<vmem_shared>> -> memref<10240x128xf32, #tpu.memory_space<vmem_shared>>
      tpu.wait_indirect_dma semaphore(%arg13 : memref<!tpu.dma_semaphore, #tpu.memory_space<semaphore_mem>>) src(%dma_wait3A_677 : memref<128x128xf32, #tpu.memory_space<vmem>>) dst(%dma_wait3A_683 : memref<10240x128xf32, #tpu.memory_space<vmem_shared>>)
      %dma_wait3A_684 = arith.constant 1 : i32
      %dma_wait3A_685 = arith.constant 13 : i32
      %dma_wait3A_686 = arith.constant 0 : i32
      %dma_wait3A_687 = arith.constant 0 : i32
      %dma_wait3A_688 = tpu.memref_slice %arg10[%dma_wait3A_684, %dma_wait3A_686, %dma_wait3A_687] : memref<2x128x128xf32, #tpu.memory_space<vmem>> -> memref<1x128x128xf32, #tpu.memory_space<vmem>>
      %dma_wait3A_689 = tpu.memref_squeeze %dma_wait3A_688 : memref<1x128x128xf32, #tpu.memory_space<vmem>> -> memref<128x128xf32, #tpu.memory_space<vmem>>
      %dma_wait3A_690 = arith.constant 0 : i32
      %dma_wait3A_691 = tpu.memref_slice %arg9[%dma_wait3A_685, %dma_wait3A_690] : memref<16x128xi32, #tpu.memory_space<vmem>> -> memref<1x128xi32, #tpu.memory_space<vmem>>
      %dma_wait3A_692 = tpu.memref_squeeze %dma_wait3A_691 : memref<1x128xi32, #tpu.memory_space<vmem>> -> memref<128xi32, #tpu.memory_space<vmem>>
      %dma_wait3A_693 = arith.constant 0 : i32
      %dma_wait3A_694 = arith.constant 0 : i32
      %dma_wait3A_695 = tpu.memref_slice %arg7[%dma_wait3A_693, %dma_wait3A_694] : memref<10240x128xf32, #tpu.memory_space<vmem_shared>> -> memref<10240x128xf32, #tpu.memory_space<vmem_shared>>
      tpu.wait_indirect_dma semaphore(%arg14 : memref<!tpu.dma_semaphore, #tpu.memory_space<semaphore_mem>>) src(%dma_wait3A_689 : memref<128x128xf32, #tpu.memory_space<vmem>>) dst(%dma_wait3A_695 : memref<10240x128xf32, #tpu.memory_space<vmem_shared>>)
      %dma_start3A_696 = arith.constant 14 : i32
      %dma_start3A_697 = arith.constant 0 : i32
      %dma_start3A_698 = arith.constant 0 : i32
      %dma_start3A_699 = arith.constant 0 : i32
      %dma_start3A_700 = tpu.memref_slice %arg10[%dma_start3A_697, %dma_start3A_698, %dma_start3A_699] : memref<2x128x128xf32, #tpu.memory_space<vmem>> -> memref<1x128x128xf32, #tpu.memory_space<vmem>>
      %dma_start3A_701 = tpu.memref_squeeze %dma_start3A_700 : memref<1x128x128xf32, #tpu.memory_space<vmem>> -> memref<128x128xf32, #tpu.memory_space<vmem>>
      %dma_start3A_702 = arith.constant 0 : i32
      %dma_start3A_703 = tpu.memref_slice %arg8[%dma_start3A_696, %dma_start3A_702] : memref<16x128xi32, #tpu.memory_space<vmem>> -> memref<1x128xi32, #tpu.memory_space<vmem>>
      %dma_start3A_704 = tpu.memref_squeeze %dma_start3A_703 : memref<1x128xi32, #tpu.memory_space<vmem>> -> memref<128xi32, #tpu.memory_space<vmem>>
      %dma_start3A_705 = arith.constant 0 : i32
      %dma_start3A_706 = arith.constant 0 : i32
      %dma_start3A_707 = tpu.memref_slice %arg2[%dma_start3A_705, %dma_start3A_706] : memref<10240x128xf32, #tpu.memory_space<hbm>> -> memref<10240x128xf32, #tpu.memory_space<hbm>>
      tpu.enqueue_indirect_dma source(%dma_start3A_707 : memref<10240x128xf32, #tpu.memory_space<hbm>>) target(%dma_start3A_701 : memref<128x128xf32, #tpu.memory_space<vmem>>) offsets(%dma_start3A_704 : memref<128xi32, #tpu.memory_space<vmem>>) semaphore(%arg11 : memref<!tpu.dma_semaphore, #tpu.memory_space<semaphore_mem>>)
      %dma_start3A_708 = arith.constant 15 : i32
      %dma_start3A_709 = arith.constant 1 : i32
      %dma_start3A_710 = arith.constant 0 : i32
      %dma_start3A_711 = arith.constant 0 : i32
      %dma_start3A_712 = tpu.memref_slice %arg10[%dma_start3A_709, %dma_start3A_710, %dma_start3A_711] : memref<2x128x128xf32, #tpu.memory_space<vmem>> -> memref<1x128x128xf32, #tpu.memory_space<vmem>>
      %dma_start3A_713 = tpu.memref_squeeze %dma_start3A_712 : memref<1x128x128xf32, #tpu.memory_space<vmem>> -> memref<128x128xf32, #tpu.memory_space<vmem>>
      %dma_start3A_714 = arith.constant 0 : i32
      %dma_start3A_715 = tpu.memref_slice %arg8[%dma_start3A_708, %dma_start3A_714] : memref<16x128xi32, #tpu.memory_space<vmem>> -> memref<1x128xi32, #tpu.memory_space<vmem>>
      %dma_start3A_716 = tpu.memref_squeeze %dma_start3A_715 : memref<1x128xi32, #tpu.memory_space<vmem>> -> memref<128xi32, #tpu.memory_space<vmem>>
      %dma_start3A_717 = arith.constant 0 : i32
      %dma_start3A_718 = arith.constant 0 : i32
      %dma_start3A_719 = tpu.memref_slice %arg2[%dma_start3A_717, %dma_start3A_718] : memref<10240x128xf32, #tpu.memory_space<hbm>> -> memref<10240x128xf32, #tpu.memory_space<hbm>>
      tpu.enqueue_indirect_dma source(%dma_start3A_719 : memref<10240x128xf32, #tpu.memory_space<hbm>>) target(%dma_start3A_713 : memref<128x128xf32, #tpu.memory_space<vmem>>) offsets(%dma_start3A_716 : memref<128xi32, #tpu.memory_space<vmem>>) semaphore(%arg12 : memref<!tpu.dma_semaphore, #tpu.memory_space<semaphore_mem>>)
      %dma_wait3A_720 = arith.constant 14 : i32
      %dma_wait3A_721 = arith.constant 0 : i32
      %dma_wait3A_722 = arith.constant 0 : i32
      %dma_wait3A_723 = arith.constant 0 : i32
      %dma_wait3A_724 = tpu.memref_slice %arg10[%dma_wait3A_721, %dma_wait3A_722, %dma_wait3A_723] : memref<2x128x128xf32, #tpu.memory_space<vmem>> -> memref<1x128x128xf32, #tpu.memory_space<vmem>>
      %dma_wait3A_725 = tpu.memref_squeeze %dma_wait3A_724 : memref<1x128x128xf32, #tpu.memory_space<vmem>> -> memref<128x128xf32, #tpu.memory_space<vmem>>
      %dma_wait3A_726 = arith.constant 0 : i32
      %dma_wait3A_727 = tpu.memref_slice %arg8[%dma_wait3A_720, %dma_wait3A_726] : memref<16x128xi32, #tpu.memory_space<vmem>> -> memref<1x128xi32, #tpu.memory_space<vmem>>
      %dma_wait3A_728 = tpu.memref_squeeze %dma_wait3A_727 : memref<1x128xi32, #tpu.memory_space<vmem>> -> memref<128xi32, #tpu.memory_space<vmem>>
      %dma_wait3A_729 = arith.constant 0 : i32
      %dma_wait3A_730 = arith.constant 0 : i32
      %dma_wait3A_731 = tpu.memref_slice %arg2[%dma_wait3A_729, %dma_wait3A_730] : memref<10240x128xf32, #tpu.memory_space<hbm>> -> memref<10240x128xf32, #tpu.memory_space<hbm>>
      tpu.wait_indirect_dma semaphore(%arg11 : memref<!tpu.dma_semaphore, #tpu.memory_space<semaphore_mem>>) src(%dma_wait3A_731 : memref<10240x128xf32, #tpu.memory_space<hbm>>) dst(%dma_wait3A_725 : memref<128x128xf32, #tpu.memory_space<vmem>>)
      %dma_start3A_732 = arith.constant 0 : i32
      %dma_start3A_733 = arith.constant 14 : i32
      %dma_start3A_734 = arith.constant 0 : i32
      %dma_start3A_735 = arith.constant 0 : i32
      %dma_start3A_736 = tpu.memref_slice %arg10[%dma_start3A_732, %dma_start3A_734, %dma_start3A_735] : memref<2x128x128xf32, #tpu.memory_space<vmem>> -> memref<1x128x128xf32, #tpu.memory_space<vmem>>
      %dma_start3A_737 = tpu.memref_squeeze %dma_start3A_736 : memref<1x128x128xf32, #tpu.memory_space<vmem>> -> memref<128x128xf32, #tpu.memory_space<vmem>>
      %dma_start3A_738 = arith.constant 0 : i32
      %dma_start3A_739 = tpu.memref_slice %arg9[%dma_start3A_733, %dma_start3A_738] : memref<16x128xi32, #tpu.memory_space<vmem>> -> memref<1x128xi32, #tpu.memory_space<vmem>>
      %dma_start3A_740 = tpu.memref_squeeze %dma_start3A_739 : memref<1x128xi32, #tpu.memory_space<vmem>> -> memref<128xi32, #tpu.memory_space<vmem>>
      %dma_start3A_741 = arith.constant 0 : i32
      %dma_start3A_742 = arith.constant 0 : i32
      %dma_start3A_743 = tpu.memref_slice %arg7[%dma_start3A_741, %dma_start3A_742] : memref<10240x128xf32, #tpu.memory_space<vmem_shared>> -> memref<10240x128xf32, #tpu.memory_space<vmem_shared>>
      tpu.enqueue_indirect_dma source(%dma_start3A_737 : memref<128x128xf32, #tpu.memory_space<vmem>>) target(%dma_start3A_743 : memref<10240x128xf32, #tpu.memory_space<vmem_shared>>) offsets(%dma_start3A_740 : memref<128xi32, #tpu.memory_space<vmem>>) semaphore(%arg13 : memref<!tpu.dma_semaphore, #tpu.memory_space<semaphore_mem>>) {add = true}
      %dma_wait3A_744 = arith.constant 15 : i32
      %dma_wait3A_745 = arith.constant 1 : i32
      %dma_wait3A_746 = arith.constant 0 : i32
      %dma_wait3A_747 = arith.constant 0 : i32
      %dma_wait3A_748 = tpu.memref_slice %arg10[%dma_wait3A_745, %dma_wait3A_746, %dma_wait3A_747] : memref<2x128x128xf32, #tpu.memory_space<vmem>> -> memref<1x128x128xf32, #tpu.memory_space<vmem>>
      %dma_wait3A_749 = tpu.memref_squeeze %dma_wait3A_748 : memref<1x128x128xf32, #tpu.memory_space<vmem>> -> memref<128x128xf32, #tpu.memory_space<vmem>>
      %dma_wait3A_750 = arith.constant 0 : i32
      %dma_wait3A_751 = tpu.memref_slice %arg8[%dma_wait3A_744, %dma_wait3A_750] : memref<16x128xi32, #tpu.memory_space<vmem>> -> memref<1x128xi32, #tpu.memory_space<vmem>>
      %dma_wait3A_752 = tpu.memref_squeeze %dma_wait3A_751 : memref<1x128xi32, #tpu.memory_space<vmem>> -> memref<128xi32, #tpu.memory_space<vmem>>
      %dma_wait3A_753 = arith.constant 0 : i32
      %dma_wait3A_754 = arith.constant 0 : i32
      %dma_wait3A_755 = tpu.memref_slice %arg2[%dma_wait3A_753, %dma_wait3A_754] : memref<10240x128xf32, #tpu.memory_space<hbm>> -> memref<10240x128xf32, #tpu.memory_space<hbm>>
      tpu.wait_indirect_dma semaphore(%arg12 : memref<!tpu.dma_semaphore, #tpu.memory_space<semaphore_mem>>) src(%dma_wait3A_755 : memref<10240x128xf32, #tpu.memory_space<hbm>>) dst(%dma_wait3A_749 : memref<128x128xf32, #tpu.memory_space<vmem>>)
      %dma_start3A_756 = arith.constant 1 : i32
      %dma_start3A_757 = arith.constant 15 : i32
      %dma_start3A_758 = arith.constant 0 : i32
      %dma_start3A_759 = arith.constant 0 : i32
      %dma_start3A_760 = tpu.memref_slice %arg10[%dma_start3A_756, %dma_start3A_758, %dma_start3A_759] : memref<2x128x128xf32, #tpu.memory_space<vmem>> -> memref<1x128x128xf32, #tpu.memory_space<vmem>>
      %dma_start3A_761 = tpu.memref_squeeze %dma_start3A_760 : memref<1x128x128xf32, #tpu.memory_space<vmem>> -> memref<128x128xf32, #tpu.memory_space<vmem>>
      %dma_start3A_762 = arith.constant 0 : i32
      %dma_start3A_763 = tpu.memref_slice %arg9[%dma_start3A_757, %dma_start3A_762] : memref<16x128xi32, #tpu.memory_space<vmem>> -> memref<1x128xi32, #tpu.memory_space<vmem>>
      %dma_start3A_764 = tpu.memref_squeeze %dma_start3A_763 : memref<1x128xi32, #tpu.memory_space<vmem>> -> memref<128xi32, #tpu.memory_space<vmem>>
      %dma_start3A_765 = arith.constant 0 : i32
      %dma_start3A_766 = arith.constant 0 : i32
      %dma_start3A_767 = tpu.memref_slice %arg7[%dma_start3A_765, %dma_start3A_766] : memref<10240x128xf32, #tpu.memory_space<vmem_shared>> -> memref<10240x128xf32, #tpu.memory_space<vmem_shared>>
      tpu.enqueue_indirect_dma source(%dma_start3A_761 : memref<128x128xf32, #tpu.memory_space<vmem>>) target(%dma_start3A_767 : memref<10240x128xf32, #tpu.memory_space<vmem_shared>>) offsets(%dma_start3A_764 : memref<128xi32, #tpu.memory_space<vmem>>) semaphore(%arg14 : memref<!tpu.dma_semaphore, #tpu.memory_space<semaphore_mem>>) {add = true}
      %dma_wait3A_768 = arith.constant 0 : i32
      %dma_wait3A_769 = arith.constant 14 : i32
      %dma_wait3A_770 = arith.constant 0 : i32
      %dma_wait3A_771 = arith.constant 0 : i32
      %dma_wait3A_772 = tpu.memref_slice %arg10[%dma_wait3A_768, %dma_wait3A_770, %dma_wait3A_771] : memref<2x128x128xf32, #tpu.memory_space<vmem>> -> memref<1x128x128xf32, #tpu.memory_space<vmem>>
      %dma_wait3A_773 = tpu.memref_squeeze %dma_wait3A_772 : memref<1x128x128xf32, #tpu.memory_space<vmem>> -> memref<128x128xf32, #tpu.memory_space<vmem>>
      %dma_wait3A_774 = arith.constant 0 : i32
      %dma_wait3A_775 = tpu.memref_slice %arg9[%dma_wait3A_769, %dma_wait3A_774] : memref<16x128xi32, #tpu.memory_space<vmem>> -> memref<1x128xi32, #tpu.memory_space<vmem>>
      %dma_wait3A_776 = tpu.memref_squeeze %dma_wait3A_775 : memref<1x128xi32, #tpu.memory_space<vmem>> -> memref<128xi32, #tpu.memory_space<vmem>>
      %dma_wait3A_777 = arith.constant 0 : i32
      %dma_wait3A_778 = arith.constant 0 : i32
      %dma_wait3A_779 = tpu.memref_slice %arg7[%dma_wait3A_777, %dma_wait3A_778] : memref<10240x128xf32, #tpu.memory_space<vmem_shared>> -> memref<10240x128xf32, #tpu.memory_space<vmem_shared>>
      tpu.wait_indirect_dma semaphore(%arg13 : memref<!tpu.dma_semaphore, #tpu.memory_space<semaphore_mem>>) src(%dma_wait3A_773 : memref<128x128xf32, #tpu.memory_space<vmem>>) dst(%dma_wait3A_779 : memref<10240x128xf32, #tpu.memory_space<vmem_shared>>)
      %dma_wait3A_780 = arith.constant 1 : i32
      %dma_wait3A_781 = arith.constant 15 : i32
      %dma_wait3A_782 = arith.constant 0 : i32
      %dma_wait3A_783 = arith.constant 0 : i32
      %dma_wait3A_784 = tpu.memref_slice %arg10[%dma_wait3A_780, %dma_wait3A_782, %dma_wait3A_783] : memref<2x128x128xf32, #tpu.memory_space<vmem>> -> memref<1x128x128xf32, #tpu.memory_space<vmem>>
      %dma_wait3A_785 = tpu.memref_squeeze %dma_wait3A_784 : memref<1x128x128xf32, #tpu.memory_space<vmem>> -> memref<128x128xf32, #tpu.memory_space<vmem>>
      %dma_wait3A_786 = arith.constant 0 : i32
      %dma_wait3A_787 = tpu.memref_slice %arg9[%dma_wait3A_781, %dma_wait3A_786] : memref<16x128xi32, #tpu.memory_space<vmem>> -> memref<1x128xi32, #tpu.memory_space<vmem>>
      %dma_wait3A_788 = tpu.memref_squeeze %dma_wait3A_787 : memref<1x128xi32, #tpu.memory_space<vmem>> -> memref<128xi32, #tpu.memory_space<vmem>>
      %dma_wait3A_789 = arith.constant 0 : i32
      %dma_wait3A_790 = arith.constant 0 : i32
      %dma_wait3A_791 = tpu.memref_slice %arg7[%dma_wait3A_789, %dma_wait3A_790] : memref<10240x128xf32, #tpu.memory_space<vmem_shared>> -> memref<10240x128xf32, #tpu.memory_space<vmem_shared>>
      tpu.wait_indirect_dma semaphore(%arg14 : memref<!tpu.dma_semaphore, #tpu.memory_space<semaphore_mem>>) src(%dma_wait3A_785 : memref<128x128xf32, #tpu.memory_space<vmem>>) dst(%dma_wait3A_791 : memref<10240x128xf32, #tpu.memory_space<vmem_shared>>)
    }
    %scan3A_6 = arith.constant 5 : i32
    %barrier3A_7 = arith.constant 0 : index
    tpu.barrier barrier_id(%barrier3A_7)
    %mul3A_8 = arith.constant 640 : i32
    %mul3A_9 = arith.muli %arg1, %mul3A_8 : i32
    %mul3A_10 = arith.constant 10240 : i32
    %mul3A_11 = arith.muli %arg0, %mul3A_10 : i32
    %mul3A_12 = arith.constant 640 : i32
    %mul3A_13 = arith.muli %arg1, %mul3A_12 : i32
    %add3A_14 = arith.addi %mul3A_11, %mul3A_13 : i32
    "tpu.region"() ({
      %run_scoped3A = tpu.sem_alloc : memref<!tpu.dma_semaphore, #tpu.memory_space<semaphore_mem>>
      %dma_start3A = arith.constant 0 : i32
      %dma_start3A_15 = tpu.memref_slice %arg6[%add3A_14, %dma_start3A] : memref<20480x128xf32, #tpu.memory_space<hbm>> -> memref<640x128xf32, #tpu.memory_space<hbm>>
      %dma_start3A_16 = arith.constant 0 : i32
      %dma_start3A_17 = tpu.memref_slice %arg7[%mul3A_9, %dma_start3A_16] : memref<10240x128xf32, #tpu.memory_space<vmem_shared>> -> memref<640x128xf32, #tpu.memory_space<vmem_shared>>
      tpu.enqueue_dma source(%dma_start3A_17 : memref<640x128xf32, #tpu.memory_space<vmem_shared>>) target(%dma_start3A_15 : memref<640x128xf32, #tpu.memory_space<hbm>>) target_semaphore(%run_scoped3A : memref<!tpu.dma_semaphore, #tpu.memory_space<semaphore_mem>>)
      %dma_wait3A = arith.constant 0 : i32
      %dma_wait3A_18 = tpu.memref_slice %arg6[%add3A_14, %dma_wait3A] : memref<20480x128xf32, #tpu.memory_space<hbm>> -> memref<640x128xf32, #tpu.memory_space<hbm>>
      %dma_wait3A_19 = arith.constant 0 : i32
      %dma_wait3A_20 = tpu.memref_slice %arg7[%mul3A_9, %dma_wait3A_19] : memref<10240x128xf32, #tpu.memory_space<vmem_shared>> -> memref<640x128xf32, #tpu.memory_space<vmem_shared>>
      tpu.wait_dma2 semaphore(%run_scoped3A : memref<!tpu.dma_semaphore, #tpu.memory_space<semaphore_mem>>) src(%dma_wait3A_20 : memref<640x128xf32, #tpu.memory_space<vmem_shared>>) dst(%dma_wait3A_18 : memref<640x128xf32, #tpu.memory_space<hbm>>)
      tpu.yield
    }) : () -> ()
    return
  }
}

module attributes {stable_mosaic.version = 14 : i64} {
  func.func @_scale_body(%arg0: i32, %arg1: memref<1280x128xf32, #tpu.memory_space<vmem>>, %arg2: memref<1280x1xf32, #tpu.memory_space<vmem>>, %arg3: memref<1280x1xf32, #tpu.memory_space<vmem>>, %arg4: memref<1280x128xf32, #tpu.memory_space<vmem>>) attributes {dimension_semantics = [#tpu.dimension_semantics<arbitrary>], iteration_bounds = array<i64: 8>, scalar_prefetch = 0 : i64, scratch_operands = 0 : i64, tpu.core_type = #tpu.core_type<tc>, window_params = [{transform_indices = @transform_0, window_bounds = array<i64: 1280, 128>}, {transform_indices = @transform_1, window_bounds = array<i64: 1280, 1>}, {transform_indices = @transform_2, window_bounds = array<i64: 1280, 1>}, {transform_indices = @transform_3, window_bounds = array<i64: 1280, 128>}]} {
    %get3A = arith.constant 0 : index
    %get3A_0 = arith.constant 0 : index
    %get3A_1 = vector.load %arg2[%get3A, %get3A_0] : memref<1280x1xf32, #tpu.memory_space<vmem>>, vector<1280x1xf32>
    %get3A_2 = arith.constant 0 : index
    %get3A_3 = arith.constant 0 : index
    %get3A_4 = vector.load %arg3[%get3A_2, %get3A_3] : memref<1280x1xf32, #tpu.memory_space<vmem>>, vector<1280x1xf32>
    %add3A = arith.addf %get3A_1, %get3A_4 : vector<1280x1xf32>
    %max3A = arith.constant 1.000000e+00 : f32
    %max3A_5 = vector.broadcast %max3A : f32 to vector<1280x1xf32>
    %max3A_6 = arith.maximumf %add3A, %max3A_5 : vector<1280x1xf32>
    %get3A_7 = arith.constant 0 : index
    %get3A_8 = arith.constant 0 : index
    %get3A_9 = vector.load %arg1[%get3A_7, %get3A_8] : memref<1280x128xf32, #tpu.memory_space<vmem>>, vector<1280x128xf32>
    %rsqrt3A = math.rsqrt %max3A_6 : vector<1280x1xf32>
    %mul3A = vector.broadcast %rsqrt3A : vector<1280x1xf32> to vector<1280x128xf32>
    %mul3A_10 = arith.mulf %get3A_9, %mul3A : vector<1280x128xf32>
    %swap3A = arith.constant 0 : index
    %swap3A_11 = arith.constant 0 : index
    %swap3A_12 = vector.load %arg4[%swap3A, %swap3A_11] : memref<1280x128xf32, #tpu.memory_space<vmem>>, vector<1280x128xf32>
    tpu.vector_store %arg4[%swap3A, %swap3A_11], %mul3A_10 {strides = array<i32>} : memref<1280x128xf32, #tpu.memory_space<vmem>>, vector<1280x128xf32>,
    return
  }
  func.func @transform_0(%arg0: i32) -> (i32, i32) {
    %c0_i32 = arith.constant 0 : i32
    %c0_i32_0 = arith.constant 0 : i32
    return %arg0, %c0_i32 : i32, i32
  }
  func.func @transform_1(%arg0: i32) -> (i32, i32) {
    %c0_i32 = arith.constant 0 : i32
    %c0_i32_0 = arith.constant 0 : i32
    return %arg0, %c0_i32 : i32, i32
  }
  func.func @transform_2(%arg0: i32) -> (i32, i32) {
    %c0_i32 = arith.constant 0 : i32
    %c0_i32_0 = arith.constant 0 : i32
    return %arg0, %c0_i32 : i32, i32
  }
  func.func @transform_3(%arg0: i32) -> (i32, i32) {
    %c0_i32 = arith.constant 0 : i32
    %c0_i32_0 = arith.constant 0 : i32
    return %arg0, %c0_i32 : i32, i32
  }
}

module attributes {stable_mosaic.version = 14 : i64} {
  func.func @_final_body(%arg0: i32, %arg1: memref<2000x128xf32, #tpu.memory_space<vmem>>, %arg2: memref<2000x128xf32, #tpu.memory_space<vmem>>, %arg3: memref<2000x128xf32, #tpu.memory_space<vmem>>, %arg4: memref<2000x1xf32, #tpu.memory_space<vmem>>, %arg5: memref<2000x1xf32, #tpu.memory_space<vmem>>, %arg6: memref<128x128xf32, #tpu.memory_space<vmem>>, %arg7: memref<1x128xf32, #tpu.memory_space<vmem>>, %arg8: memref<2000x128xf32, #tpu.memory_space<vmem>>) attributes {dimension_semantics = [#tpu.dimension_semantics<arbitrary>], iteration_bounds = array<i64: 5>, scalar_prefetch = 0 : i64, scratch_operands = 0 : i64, tpu.core_type = #tpu.core_type<tc>, window_params = [{transform_indices = @transform_0, window_bounds = array<i64: 2000, 128>}, {transform_indices = @transform_1, window_bounds = array<i64: 2000, 128>}, {transform_indices = @transform_2, window_bounds = array<i64: 2000, 128>}, {transform_indices = @transform_3, window_bounds = array<i64: 2000, 1>}, {transform_indices = @transform_4, window_bounds = array<i64: 2000, 1>}, {pipeline_mode = #tpu.pipeline_mode<synchronous>, transform_indices = @transform_5, window_bounds = array<i64: 128, 128>}, {pipeline_mode = #tpu.pipeline_mode<synchronous>, transform_indices = @transform_6, window_bounds = array<i64: 1, 128>}, {transform_indices = @transform_7, window_bounds = array<i64: 2000, 128>}]} {
    %get3A = arith.constant 0 : index
    %get3A_0 = arith.constant 0 : index
    %get3A_1 = vector.load %arg4[%get3A, %get3A_0] : memref<2000x1xf32, #tpu.memory_space<vmem>>, vector<2000x1xf32>
    %get3A_2 = arith.constant 0 : index
    %get3A_3 = arith.constant 0 : index
    %get3A_4 = vector.load %arg5[%get3A_2, %get3A_3] : memref<2000x1xf32, #tpu.memory_space<vmem>>, vector<2000x1xf32>
    %add3A = arith.addf %get3A_1, %get3A_4 : vector<2000x1xf32>
    %max3A = arith.constant 1.000000e+00 : f32
    %max3A_5 = vector.broadcast %max3A : f32 to vector<2000x1xf32>
    %max3A_6 = arith.maximumf %add3A, %max3A_5 : vector<2000x1xf32>
    %get3A_7 = arith.constant 0 : index
    %get3A_8 = arith.constant 0 : index
    %get3A_9 = vector.load %arg2[%get3A_7, %get3A_8] : memref<2000x128xf32, #tpu.memory_space<vmem>>, vector<2000x128xf32>
    %get3A_10 = arith.constant 0 : index
    %get3A_11 = arith.constant 0 : index
    %get3A_12 = vector.load %arg3[%get3A_10, %get3A_11] : memref<2000x128xf32, #tpu.memory_space<vmem>>, vector<2000x128xf32>
    %add3A_13 = arith.addf %get3A_9, %get3A_12 : vector<2000x128xf32>
    %rsqrt3A = math.rsqrt %max3A_6 : vector<2000x1xf32>
    %mul3A = vector.broadcast %rsqrt3A : vector<2000x1xf32> to vector<2000x128xf32>
    %mul3A_14 = arith.mulf %add3A_13, %mul3A : vector<2000x128xf32>
    %get3A_15 = arith.constant 0 : index
    %get3A_16 = arith.constant 0 : index
    %get3A_17 = vector.load %arg1[%get3A_15, %get3A_16] : memref<2000x128xf32, #tpu.memory_space<vmem>>, vector<2000x128xf32>
    %get3A_18 = arith.constant 0 : index
    %get3A_19 = arith.constant 0 : index
    %get3A_20 = vector.load %arg6[%get3A_18, %get3A_19] : memref<128x128xf32, #tpu.memory_space<vmem>>, vector<128x128xf32>
    %dot_general3A = arith.constant dense<0.000000e+00> : vector<2000x128xf32>
    %dot_general3A_21 = tpu.matmul %mul3A_14, %get3A_20, %dot_general3A {dimension_numbers = #tpu.dot_dimension_numbers<[1], [0], [0], [1], [0, 0, 1, 1], [], []>, transpose_lhs_hint = false} : vector<2000x128xf32>, vector<128x128xf32>, vector<2000x128xf32> -> vector<2000x128xf32>
    %add3A_22 = arith.addf %get3A_17, %dot_general3A_21 : vector<2000x128xf32>
    %get3A_23 = arith.constant 0 : index
    %get3A_24 = arith.constant 0 : index
    %get3A_25 = vector.load %arg7[%get3A_23, %get3A_24] : memref<1x128xf32, #tpu.memory_space<vmem>>, vector<1x128xf32>
    %add3A_26 = vector.broadcast %get3A_25 : vector<1x128xf32> to vector<2000x128xf32>
    %add3A_27 = arith.addf %add3A_22, %add3A_26 : vector<2000x128xf32>
    %swap3A = arith.constant 0 : index
    %swap3A_28 = arith.constant 0 : index
    %swap3A_29 = vector.load %arg8[%swap3A, %swap3A_28] : memref<2000x128xf32, #tpu.memory_space<vmem>>, vector<2000x128xf32>
    tpu.vector_store %arg8[%swap3A, %swap3A_28], %add3A_27 {strides = array<i32>} : memref<2000x128xf32, #tpu.memory_space<vmem>>, vector<2000x128xf32>,
    return
  }
  func.func @transform_0(%arg0: i32) -> (i32, i32) {
    %c0_i32 = arith.constant 0 : i32
    %c0_i32_0 = arith.constant 0 : i32
    return %arg0, %c0_i32 : i32, i32
  }
  func.func @transform_1(%arg0: i32) -> (i32, i32) {
    %c0_i32 = arith.constant 0 : i32
    %c0_i32_0 = arith.constant 0 : i32
    return %arg0, %c0_i32 : i32, i32
  }
  func.func @transform_2(%arg0: i32) -> (i32, i32) {
    %c0_i32 = arith.constant 0 : i32
    %c0_i32_0 = arith.constant 0 : i32
    return %arg0, %c0_i32 : i32, i32
  }
  func.func @transform_3(%arg0: i32) -> (i32, i32) {
    %c0_i32 = arith.constant 0 : i32
    %c0_i32_0 = arith.constant 0 : i32
    return %arg0, %c0_i32 : i32, i32
  }
  func.func @transform_4(%arg0: i32) -> (i32, i32) {
    %c0_i32 = arith.constant 0 : i32
    %c0_i32_0 = arith.constant 0 : i32
    return %arg0, %c0_i32 : i32, i32
  }
  func.func @transform_5(%arg0: i32) -> (i32, i32) {
    %c0_i32 = arith.constant 0 : i32
    %c0_i32_0 = arith.constant 0 : i32
    %c0_i32_1 = arith.constant 0 : i32
    return %c0_i32, %c0_i32_0 : i32, i32
  }
  func.func @transform_6(%arg0: i32) -> (i32, i32) {
    %c0_i32 = arith.constant 0 : i32
    %c0_i32_0 = arith.constant 0 : i32
    %c0_i32_1 = arith.constant 0 : i32
    return %c0_i32, %c0_i32_0 : i32, i32
  }
  func.func @transform_7(%arg0: i32) -> (i32, i32) {
    %c0_i32 = arith.constant 0 : i32
    %c0_i32_0 = arith.constant 0 : i32
    return %arg0, %c0_i32 : i32, i32
  }
}

</mosaic_0001>

<sc_bundles>
// kernel: kernel.6.cloned.1.call-start
scs
__scs_entry_jumppad:
0x0: {  	(pc) =	sbr.rel $0x88, $3  }
0x1: {  	(tag) =	ssettag $0x0;
	lr =	simm.s32 $0x1  }
0x2: {  	[smem:$0x3F9D] =	sst lr;
	_ =	strace $0xD0000000  }
0x3: {  	_ = 	snop  }
0x4: {  	_ = 	snop  }
0x5: {  	_ = 	snop  }
0x6: {  	_ = 	snop  }
0x7: {  	_ = 	snop  }
__scs_overlays_trampoline_lowered:
0x8: {  	[smem:$0x3FAC] =	sst s0  }
0x9: {  	[smem:$0x3FAD] =	sst s1  }
0xa: {  	[smem:$0x3FAE] =	sst s2  }
0xb: {  	[smem:$0x3FAF] =	sst s3  }
0xc: {  	[smem:$0x3FB0] =	sst s4  }
0xd: {  	[smem:$0x3FB1] =	sst s5  }
0xe: {  	[smem:$0x3FB2] =	sst s6  }
0xf: {  	[smem:$0x3FB3] =	sst s7  }
0x10: {  	[smem:$0x3FB4] =	sst s8  }
0x11: {  	[smem:$0x3FB5] =	sst s9;
	s0 =	simm.s32 @!p0 $0x0  }
0x12: {  	s1 =	sld [smem:$0x3F9B];
	s0 =	simm.s32 @p0 $0x1  }
0x13: {  	[smem:$0x3FB6] =	sst s0;
	s0 =	simm.s32 @!p1 $0x0  }
0x14: {  	s2 =	sld [smem:$0x3F9A];
	s0 =	simm.s32 @p1 $0x1  }
0x15: {  	[smem:$0x3FB7] =	sst s0;
	s0 =	simm.s32 @!p2 $0x0  }
0x16: {  	s3 =	sld [smem:$0x3FDB];
	s0 =	simm.s32 @p2 $0x1  }
0x17: {  	s4 =	simm.s32 $0x1BF5;
	[smem:$0x3FB9] =	sst s0  }
0x18: {  	s0 =	sld [smem:$0x3F9C];
	_ =	swait.ge [sflag:s4], $0x0  }
0x19: {  	s7 =	sld [smem:$0x3F9D]  }
0x1a: {  	s8 =	sadd.s32 $0xFFFFE003, lr  }
0x1b: {  	s9 =	sadd.s32 $0xFFFFFEF7, lr;
	s5 =	simm.s32 $0xFFFFFFFF;
	p2 =	slt.u32 s8, $0xFFFFF086  }
0x1c: {  	p1 =	slt.u32 s9, $0xF7A;
	s5 =	simm.s32 @!p2 $0x0  }
0x1d: {  	s5 =	simm.s32 @p1 $0x1;
	p0 =	seq.s32 s7, s2  }
0x1e: {  	s7 =	smul.u32 @!p0 $0xF7A, s2;
	p2 =	seq.s32 @!p0 s5, $0x0  }
0x1f: {  	s9 =	smul.u32 $0xF7A, s1;
	s8 =	simm.s32 @!p0 $0x1BF5;
	p2 =	por !p2, p0  }
0x20: {  	[sflag:s8] =	ssyncset.s32 @!p0 $0xFFFFF086;
	s6 =	sadd.s32 @!p0 s3, s7;
	s7 =	simm.s32 @!p0 $0x108  }
0x21: {  	s3 =	sadd.s32 s3, s9;
	s6 =	sadd.s32 @!p0 $0x88, s6;
	s7 =	simm.s32 @p2 $0x1082  }
0x22: {  	[simem:s7], [sflag:s8] =	dma.local @!p0 [hbm:s6], $0xF7A  }
0x23: {  	s9 =	sor.u32 $0xD0000000, s2;
	s6 =	simm.s32 $0x108;
	_ =	swait.ge @!p0 [sflag:s8], $0x0  }
0x24: {  	s3 =	sadd.s32 $0x88, s3;
	s6 =	simm.s32 @!p1 $0x1082;
	[sflag:s4] =	ssyncset.s32 $0xFFFFF086  }
0x25: {  	[simem:s6], [sflag:s4] =	dma.local [hbm:s3], $0xF7A  }
0x26: {  	[smem:$0x3F9D] =	sst s1;
	(tag) =	ssettag s2;
	_ =	strace s9  }
0x27: {  	s1 =	sld [smem:$0x3FAD]  }
0x28: {  	s2 =	sld [smem:$0x3FAE]  }
0x29: {  	s4 =	sld [smem:$0x3FB0]  }
0x2a: {  	p0 =	seq.s32 s5, $0x0;
	s5 =	sld [smem:$0x3FB1]  }
0x2b: {  	s6 =	sld [smem:$0x3FB2]  }
0x2c: {  	s7 =	sld [smem:$0x3FB3]  }
0x2d: {  	s3 =	simm.s32 $0x108;
	s8 =	sld [smem:$0x3FB4]  }
0x2e: {  	s3 =	simm.s32 @!p0 $0x1082;
	s9 =	sld [smem:$0x3FB5]  }
0x2f: {  	lr =	sadd.s32 s0, s3;
	s0 =	sld [smem:$0x3FAC]  }
0x30: {  	s3 =	sld [smem:$0x3FAF]  }
0x31: {  	[smem:$0x3FB8] =	sst s10  }
0x32: {  	s10 =	sld [smem:$0x3FB6];
	_ =	sdelay $0x3  }
0x33: {  	p0 =	seq.s32 s10, $0x1;
	s10 =	sld [smem:$0x3FB8];
	_ =	sdelay $0x3  }
0x34: {  	[smem:$0x3FB8] =	sst s10  }
0x35: {  	s10 =	sld [smem:$0x3FB7];
	_ =	sdelay $0x3  }
0x36: {  	p1 =	seq.s32 s10, $0x1;
	s10 =	sld [smem:$0x3FB8];
	_ =	sdelay $0x3  }
0x37: {  	[smem:$0x3FB8] =	sst s10  }
0x38: {  	s10 =	sld [smem:$0x3FB9]  }
0x39: {  	_ = 	snop;
	(pc) =	sbr.ind lr, $3  }
0x3a: {  	_ = 	snop  }
0x3b: {  	_ = 	snop  }
0x3c: {  	p2 =	seq.s32 s10, $0x1;
	s10 =	sld [smem:$0x3FB8]  }
0x3d: {  	_ =	shalt  }
0x3e: {  	_ =	shalt  }
0x3f: {  	_ =	shalt  }
0x40: {  	_ =	shalt  }
0x41: {  	_ =	shalt  }
0x42: {  	_ =	shalt  }
0x43: {  	_ =	shalt  }
0x44: {  	_ =	shalt  }
0x45: {  	_ =	shalt  }
0x46: {  	_ =	shalt  }
0x47: {  	_ =	shalt  }
0x48: {  	_ =	shalt  }
0x49: {  	_ =	shalt  }
0x4a: {  	_ =	shalt  }
0x4b: {  	_ =	shalt  }
0x4c: {  	_ =	shalt  }
0x4d: {  	_ =	shalt  }
0x4e: {  	_ =	shalt  }
0x4f: {  	_ =	shalt  }
0x50: {  	_ =	shalt  }
0x51: {  	_ =	shalt  }
0x52: {  	_ =	shalt  }
0x53: {  	_ =	shalt  }
0x54: {  	_ =	shalt  }
0x55: {  	_ =	shalt  }
0x56: {  	_ =	shalt  }
0x57: {  	_ =	shalt  }
0x58: {  	_ =	shalt  }
0x59: {  	_ =	shalt  }
0x5a: {  	_ =	shalt  }
0x5b: {  	_ =	shalt  }
0x5c: {  	_ =	shalt  }
0x5d: {  	_ =	shalt  }
0x5e: {  	_ =	shalt  }
0x5f: {  	_ =	shalt  }
0x60: {  	_ =	shalt  }
0x61: {  	_ =	shalt  }
0x62: {  	_ =	shalt  }
0x63: {  	_ =	shalt  }
0x64: {  	_ =	shalt  }
0x65: {  	_ =	shalt  }
0x66: {  	_ =	shalt  }
0x67: {  	_ =	shalt  }
0x68: {  	_ =	shalt  }
0x69: {  	_ =	shalt  }
0x6a: {  	_ =	shalt  }
0x6b: {  	_ =	shalt  }
0x6c: {  	_ =	shalt  }
0x6d: {  	_ =	shalt  }
0x6e: {  	_ =	shalt  }
0x6f: {  	_ =	shalt  }
0x70: {  	_ =	shalt  }
0x71: {  	_ =	shalt  }
0x72: {  	_ =	shalt  }
0x73: {  	_ =	shalt  }
0x74: {  	_ =	shalt  }
0x75: {  	_ =	shalt  }
0x76: {  	_ =	shalt  }
0x77: {  	_ =	shalt  }
0x78: {  	_ =	shalt  }
0x79: {  	_ =	shalt  }
0x7a: {  	_ =	shalt  }
0x7b: {  	_ =	shalt  }
0x7c: {  	_ =	shalt  }
0x7d: {  	_ =	shalt  }
0x7e: {  	_ =	shalt  }
0x7f: {  	_ =	shalt  }
0x80: {  	_ =	shalt  }
0x81: {  	_ =	shalt  }
0x82: {  	_ =	shalt  }
0x83: {  	_ =	shalt  }
0x84: {  	_ =	shalt  }
0x85: {  	_ =	shalt  }
0x86: {  	_ =	shalt  }
0x87: {  	_ =	shalt  }
.Lfunc_end0:
.L_simem_size_0:
called_computation_lowered:
.L_overlay_start_0:
0x88: {  	s2 =	sld [smem:$0x3FD9]  }
0x89: {  	s3 =	sld [smem:$0x3FFE];
	_ =	sdelay $0x1  }
0x8a: {  	s1 =	srdreg.scid  }
0x8b: {  	s0 =	sand.u32 $0x1, s1  }
0x8c: {  	s17 =	sshll.u32 s0, $0xA;
	s2 =	sadd.s32 s3, s2  }
0x8d: {  	s2 =	sadd.s32 s2, s17  }
0x8e: {  	[smem:$0x3FC4] =	sst s2  }
0x8f: {  	_ = 	snop  }
0x90: {  	s2 =	sld [smem:$0x3FD0];
	(tm) =	ssettm $0x1  }
0x91: {  	s18 =	sld [smem:$0x3FFB];
	_ =	sdelay $0x3  }
0x92: {  	_ =	strace s18  }
0x93: {  	s3 =	sld [smem:$0x3FFC];
	_ =	sdelay $0x3  }
0x94: {  	_ =	strace s3  }
0x95: {  	s3 =	sld [smem:$0x3FFD];
	_ =	sdelay $0x3  }
0x96: {  	_ =	strace s3  }
0x97: {  	_ =	strace $0x8FFFFFFF  }
0x98: {  	s19 =	sld [smem:$0x3FDB];
	_ =	sdelay $0x1  }
0x99: {  	s4 =	simm.s32 $_scs_section_size  }
0x9a: {  	s5 =	simm.s32 $_size__tile_overlayer_lowered;
	s6 =	simm.s32 $_tile_overlayer_lowered  }
0x9b: {  	s22 =	simm.s32 $0x1BFF;
	s21 =	sshll.u32 s6, $0x1;
	s3 =	sadd.s32 s4, s19  }
0x9c: {  	s7 =	simm.s32 $0x0;
	s20 =	sshll.u32 s5, $0x1;
	s5 =	sadd.s32 s21, s3  }
0x9d: {  	[timem:s7], [sflag:s22] =	dma.local [hbm:s5], s20  }
0x9e: {  	_ =	swait.ge [sflag:s22], s20  }
0x9f: {  	s4 =	ssub.s32 $0x0, s20;
	[sflag:s22] =	ssyncset.done $0x0  }
0xa0: {  	[sflag:s22] =	ssyncadd.s32 s4;
	_ =	sdelay $0x1  }
0xa1: {  	s23 =	simm.s32 $0x1B8B  }
0xa2: {  	_ =	swait.ge [sflag:s23], $0x1  }
0xa3: {  	[sflag:s23] =	ssyncset.done $0x0  }
0xa4: {  	s25 =	simm.s32 $0x1B8E;
	s24 =	sld [smem:$0x3FFE];
	[sflag:s23] =	ssyncadd.s32 $0xFFFFFFFF  }
0xa5: {  	s26 =	simm.s32 $execute0_lowered;
	[smem:$0x3FD2] =	sst s25  }
0xa6: {  	s5 =	sshll.u32 s26, $0x1;
	_ =	strace $0x80000046;
	[dreg:$0x1] =	wrdreg $0xFFFFFFFF  }
0xa7: {  	s28 =	simm.s32 $_size_execute0_lowered;
	s3 =	sadd.s32 s3, s5;
	[dreg:$0x0] =	wrdreg $0x0  }
0xa8: {  	s5 =	sshll.u32 s28, $0x1;
	[dreg:$0x2] =	wrdreg s3  }
0xa9: {  	[dreg:$0x3] =	wrdreg s5  }
0xaa: {  	[dreg:$0x4] =	wrdreg $0xC0  }
0xab: {  	_ =	task [dreg:s7], $0x5FFFF  }
0xac: {  	[dreg:$0x1] =	wrdreg $0xFFFFFFFF  }
0xad: {  	[dreg:$0x0] =	wrdreg $0x60  }
0xae: {  	[dreg:$0x2] =	wrdreg s24  }
0xaf: {  	[dreg:$0x3] =	wrdreg s2  }
0xb0: {  	[dreg:$0x4] =	wrdreg $0x0  }
0xb1: {  	[dreg:$0x5] =	wrdreg $0x2800  }
0xb2: {  	[dreg:$0x6] =	wrdreg $0x9  }
0xb3: {  	_ =	task.clear_ibuf [dreg:s7], $0x7FFFF;
	_ =	strace $0x90000046  }
0xb4: {  	s29 =	simm.s32 $0x9;
	_ =	strace $0x80000048  }
0xb5: {  	_ =	swait.ge [sflag:s29], $0x1  }
0xb6: {  	[sflag:s29] =	ssyncadd.s32 $0xFFFFFFFF  }
0xb7: {  	_ =	strace $0x90000048  }
0xb8: {  	_ =	sfence  }
0xb9: {  	s30 =	sld [smem:$0x0];
	_ =	sdelay $0x2  }
0xba: {  	s31 =	sshll.u32 s1, $0xD;
	s1 =	sshrl.u32 s1, $0x2  }
0xbb: {  	s3 =	sand.u32 $0x4000, s31;
	s1 =	sadd.s32 s1, s30  }
0xbc: {  	s0 =	sor.u32 s3, s0;
	s1 =	sshll.u32 s1, $0x11  }
0xbd: {  	s0 =	sor.u32 s1, s0  }
0xbe: {  	s0 =	sadd.s32 $0x8F2B, s0  }
0xbf: {  	[sflag:s0] =	ssyncadd.remote.s32 $0x1  }
0xc0: {  	_ =	sfence.sel $0xFFFF  }
0xc1: {  	[dreg:$0x0] =	wrdreg $0xFFFFFFFF;
	(pc) =	sbr.abs _section_cstart, $3  }
0xc2: {  	[dreg:$0x1] =	wrdreg $0xFFFFFFFF  }
0xc3: {  	_ =	task.clear_ibuf [dreg:s7], $0x2FFFF;
	_ =	strace $0x9FFFFFFF  }
0xc4: {  	(tm) =	ssettm $0x7FFFFFFF  }
0xc5: {  	_ =	shalt  }
tec
execute0_lowered:
.L_overlay_start_1:
0x0: {  	(tag) =	ssettag $0x1  }
0x1: {  	s6 =	rddreg [dreg:$0x0]  }
0x2: {  	s8 =	rddreg [dreg:$0x1]  }
0x3: {  	s2 =	rddreg [dreg:$0x2]  }
0x4: {  	s0 =	srdreg.scid;
	s3 =	rddreg [dreg:$0x3]  }
0x5: {  	s1 =	stileid.u32;
	s4 =	simm.s32 $0x0;
	s16 =	simm.s32 $0x2D00  }
0x6: {  	s17 =	simm.s32 $0x80;
	s18 =	simm.s32 $0x5500;
	s19 =	simm.s32 $0x0  }
0x7: {  	s5 =	sand.u32 $0x1, s0;
	s0 =	rddreg [dreg:$0x4];
	s9 =	smul.u32 $0x280, s1  }
0x8: {  	[smem:$0x7FF] =	sst s4;
	s31 =	sshll.u32 s1, $0x6;
	s7 =	sshll.u32 s5, $0x4  }
0x9: {  	s10 =	smul.u32 $0x5000, s5;
	_ =	strace $0x80000047;
	s12 =	ssub.s32 $0x2, s5  }
0xa: {  	s5 =	sadd.s32 $0xB600, s6;
	s7 =	sor.u32 s1, s7;
	s30 =	sshrl.u32 s12, $0x1  }
0xb: {  	s14 =	sadd.s32 s9, s2;
	s11 =	smul.u32 $0x500, s7;
	s28 =	sadd.s32 s9, s10  }
0xc: {  	s15 =	sadd.s32 s9, s3;
	s12 =	ssub.s32 s12, s30;
	s7 =	sshrl.u32 s28, $0x3  }
0xd: {  	s29 =	sadd.s32 s11, s6;
	s13 =	sadd.s32 s7, s6;
	s6 =	sor.u32 $0x1C01, s31  }
0xe: {  	s8 =	sadd.s32 s8, s11;
	s11 =	smax.u32 s12, $0x1;
	s12 =	sshrl.u32 s14, $0x3  }
0xf: {  	s14 =	sshrl.u32 s15, $0x3;
	s15 =	simm.s32 $0x500;
	s7 =	sadd.s32 $0x1600, s29  }
0x10: {  	v0 =	vimm.f32 $1.000000000e+00;
	s9 =	sadd.s32 $0xB800, s13;
	s10 =	sadd.s32 $0xBD00, s13;
	s13 =	simm.s32 $0x1  }
.LBB2_1:
0x11: {  	[tilespmem:$0x5500] =	vst v0  }
0x12: {  	[tilespmem:$0x5510] =	vst v0  }
0x13: {  	[tilespmem:$0x5520] =	vst v0  }
0x14: {  	[tilespmem:$0x5530] =	vst v0  }
0x15: {  	[tilespmem:$0x5540] =	vst v0  }
0x16: {  	[tilespmem:$0x5550] =	vst v0  }
0x17: {  	[tilespmem:$0x5560] =	vst v0  }
0x18: {  	[tilespmem:$0x5570] =	vst v0  }
0x19: {  	[spmem:s12], [sflag:s6] =	dma.local [hbm:s5], $0x50  }
0x1a: {  	_ =	swait.ge [sflag:s13], $0x50  }
0x1b: {  	[sflag:s13] =	ssyncset.done $0x0  }
0x1c: {  	[sflag:s13] =	ssyncadd.s32 $0xFFFFFFB0  }
0x1d: {  	[spmem:s14], [sflag:s6] =	dma.local [hbm:s5], $0x50  }
0x1e: {  	_ =	swait.ge [sflag:s13], $0x50  }
0x1f: {  	[sflag:s13] =	ssyncset.done $0x0  }
0x20: {  	[sflag:s13] =	ssyncadd.s32 $0xFFFFFFB0  }
0x21: {  	[bflag:$0x0] =	sbarrier.arrive $0xFFFF  }
0x22: {  	[tilespmem:s15], [sflag:$0x1] =	stream.linear.gather [hbm4b:s7+s4], $0x2800, $0x38;
	[tilespmem:$0x5580] =	vst v63  }
0x23: {  	_ =	swait.ge [sflag:s13], $0x2800  }
0x24: {  	[sflag:s13] =	ssyncset.done $0x0  }
0x25: {  	[sflag:s13] =	ssyncadd.s32 $0xFFFFD800  }
0x26: {  	[tilespmem:s16], [sflag:$0x1] =	stream.linear.gather [hbm4b:s8+s4], $0x2800, $0x38;
	[tilespmem:$0x5580] =	vst v63  }
0x27: {  	_ =	swait.ge [sflag:s13], $0x2800  }
0x28: {  	[sflag:s13] =	ssyncset.done $0x0  }
0x29: {  	s20 =	simm.s32 $0x500;
	[sflag:s13] =	ssyncadd.s32 $0xFFFFD800  }
0x2a: {  	[spmem:s2] =	stream.indirect.scatter.add.f32 [tilespmem:s18], [sflag:$0x1], $0x1, s20, s17, $0xb8;
	[tilespmem:$0x5580] =	vst v63  }
0x2b: {  	_ =	swait.ge [sflag:s13], $0x80  }
0x2c: {  	[sflag:s13] =	ssyncset.done $0x0  }
0x2d: {  	s31 =	simm.s32 $0x2D00;
	[sflag:s13] =	ssyncadd.s32 $0xFFFFFF80  }
0x2e: {  	[spmem:s3] =	stream.indirect.scatter.add.f32 [tilespmem:s18], [sflag:$0x1], $0x1, s31, s17, $0xb8;
	[tilespmem:$0x5580] =	vst v63  }
0x2f: {  	_ =	swait.ge [sflag:s13], $0x80  }
0x30: {  	s21 =	simm.s32 $0x400;
	s20 =	simm.s32 $0x80;
	[sflag:s13] =	ssyncset.done $0x0  }
.LBB2_2:
0x31: {  	s22 =	sadd.s32 $0x500, s20  }
0x32: {  	[sflag:s13] =	ssyncadd.s32 $0xFFFFFF80;
	s23 =	smov.u32 s21;
	s24 =	sadd.s32 $0x200, s21  }
0x33: {  	[spmem:s2] =	stream.indirect.scatter.add.f32 [tilespmem:s18], [sflag:$0x1], $0x1, s22, s17, $0xb8;
	[tilespmem:$0x5580] =	vst v63  }
0x34: {  	p0 =	sne.s32 s21, $0x9E00;
	_ =	swait.ge [sflag:s13], $0x80  }
.Ltmp0:
0x35: {  	[sflag:s13] =	ssyncset.done $0x0;
	(pc) =	sbr.rel @p0 .LBB2_2-.Ltmp0, $4  }
0x36: {  	s20 =	sadd.s32 $0x2D00, s20;
	[sflag:s13] =	ssyncadd.s32 $0xFFFFFF80  }
0x37: {  	[spmem:s3] =	stream.indirect.scatter.add.f32 [tilespmem:s18], [sflag:$0x1], $0x1, s20, s17, $0xb8;
	[tilespmem:$0x5580] =	vst v63  }
0x38: {  	_ =	swait.ge [sflag:s13], $0x80  }
0x39: {  	s21 =	smov.u32 s24;
	s20 =	sshra.s32 s23, $0x2;
	[sflag:s13] =	ssyncset.done $0x0  }
0x3a: {  	s21 =	sadd.s32 $0x500, s20;
	[sflag:s13] =	ssyncadd.s32 $0xFFFFFF80  }
0x3b: {  	[spmem:s2] =	stream.indirect.scatter.add.f32 [tilespmem:s18], [sflag:$0x1], $0x1, s21, s17, $0xb8;
	[tilespmem:$0x5580] =	vst v63  }
0x3c: {  	_ =	swait.ge [sflag:s13], $0x80  }
0x3d: {  	[sflag:s13] =	ssyncset.done $0x0  }
0x3e: {  	s31 =	sadd.s32 $0x2D00, s20;
	[sflag:s13] =	ssyncadd.s32 $0xFFFFFF80  }
0x3f: {  	[spmem:s3] =	stream.indirect.scatter.add.f32 [tilespmem:s18], [sflag:$0x1], $0x1, s31, s17, $0xb8;
	[tilespmem:$0x5580] =	vst v63  }
0x40: {  	_ =	swait.ge [sflag:s13], $0x80  }
0x41: {  	[sflag:s13] =	ssyncset.done $0x0  }
0x42: {  	[sflag:s13] =	ssyncadd.s32 $0xFFFFFF80  }
0x43: {  	[bflag:$0x0] =	sbarrier.arrive $0xFFFF  }
0x44: {  	[hbm:s9], [sflag:s6] =	dma.local [spmem:s12], $0x50  }
0x45: {  	s19 =	sadd.s32 $0x1, s19;
	_ =	swait.ge [sflag:s13], $0x50  }
0x46: {  	p0 =	sne.s32 s19, s11;
	[sflag:s13] =	ssyncset.done $0x0  }
.Ltmp1:
0x47: {  	[sflag:s13] =	ssyncadd.s32 $0xFFFFFFB0;
	(pc) =	sbr.rel @p0 .LBB2_1-.Ltmp1, $4  }
0x48: {  	[hbm:s10], [sflag:s6] =	dma.local [spmem:s14], $0x50  }
0x49: {  	_ =	swait.ge [sflag:s13], $0x50  }
0x4a: {  	[sflag:s13] =	ssyncset.done $0x0  }
0x4b: {  	[sflag:s13] =	ssyncadd.s32 $0xFFFFFFB0  }
0x4c: {  	_ =	sfence.sel $0x180000  }
0x4d: {  	[bflag:$0x0] =	sbarrier.arrive $0xFFFF  }
0x4e: {  	p0 =	sne.s32 s1, $0x0;
	_ =	strace $0x90000047  }
0x4f: {  	s0 =	sadd.s32 @!p0 $0x100000, s0;
	[bflag:$0x2] =	sbarrier.arrive $0xFFFF  }
0x50: {  	[sflag:s0] =	ssyncadd.tile.s32 @!p0 $0x1;
	_ =	shalt  }
.Lfunc_end2:
_tile_overlayer_lowered:
.L_overlay_start_2:
0x51: {  	(tag) =	ssettag $0x2  }
0x52: {  	s0 =	rddreg [dreg:$0x0];
	s2 =	stileid.u32  }
0x53: {  	s1 =	rddreg [dreg:$0x1];
	p0 =	sne.s32 s2, $0x0  }
0x54: {  	s3 =	rddreg [dreg:$0x2];
	[bflag:$0x3] =	sbarrier.arrive $0xFFFF;
	s2 =	simm.s32 @!p0 $0x1C01  }
0x55: {  	[timem:s3], [sflag:s2] =	dma.local @!p0 [hbm:s0], s1  }
0x56: {  	s0 =	simm.s32 @!p0 $0x1  }
0x57: {  	_ =	swait.ge @!p0 [sflag:s0], s1  }
0x58: {  	s1 =	ssub.s32 @!p0 $0x0, s1;
	[sflag:s0] =	ssyncset.done @!p0 $0x0  }
0x59: {  	[sflag:s0] =	ssyncadd.s32 @!p0 s1  }
0x5a: {  	[bflag:$0x3] =	sbarrier.arrive $0xFFFF  }
0x5b: {  	_ =	shalt  }

// kernel: kernel.9.cloned.1.call-start
scs
__scs_entry_jumppad:
0x0: {  	(pc) =	sbr.rel $0x88, $3  }
0x1: {  	(tag) =	ssettag $0x0;
	lr =	simm.s32 $0x1  }
0x2: {  	[smem:$0x3F9D] =	sst lr;
	_ =	strace $0xD0000000  }
0x3: {  	_ = 	snop  }
0x4: {  	_ = 	snop  }
0x5: {  	_ = 	snop  }
0x6: {  	_ = 	snop  }
0x7: {  	_ = 	snop  }
__scs_overlays_trampoline_lowered:
0x8: {  	[smem:$0x3FAC] =	sst s0  }
0x9: {  	[smem:$0x3FAD] =	sst s1  }
0xa: {  	[smem:$0x3FAE] =	sst s2  }
0xb: {  	[smem:$0x3FAF] =	sst s3  }
0xc: {  	[smem:$0x3FB0] =	sst s4  }
0xd: {  	[smem:$0x3FB1] =	sst s5  }
0xe: {  	[smem:$0x3FB2] =	sst s6  }
0xf: {  	[smem:$0x3FB3] =	sst s7  }
0x10: {  	[smem:$0x3FB4] =	sst s8  }
0x11: {  	[smem:$0x3FB5] =	sst s9;
	s0 =	simm.s32 @!p0 $0x0  }
0x12: {  	s1 =	sld [smem:$0x3F9B];
	s0 =	simm.s32 @p0 $0x1  }
0x13: {  	[smem:$0x3FB6] =	sst s0;
	s0 =	simm.s32 @!p1 $0x0  }
0x14: {  	s2 =	sld [smem:$0x3F9A];
	s0 =	simm.s32 @p1 $0x1  }
0x15: {  	[smem:$0x3FB7] =	sst s0;
	s0 =	simm.s32 @!p2 $0x0  }
0x16: {  	s3 =	sld [smem:$0x3FDB];
	s0 =	simm.s32 @p2 $0x1  }
0x17: {  	s4 =	simm.s32 $0x1BF5;
	[smem:$0x3FB9] =	sst s0  }
0x18: {  	s0 =	sld [smem:$0x3F9C];
	_ =	swait.ge [sflag:s4], $0x0  }
0x19: {  	s7 =	sld [smem:$0x3F9D]  }
0x1a: {  	s8 =	sadd.s32 $0xFFFFE003, lr  }
0x1b: {  	s9 =	sadd.s32 $0xFFFFFEF7, lr;
	s5 =	simm.s32 $0xFFFFFFFF;
	p2 =	slt.u32 s8, $0xFFFFF086  }
0x1c: {  	p1 =	slt.u32 s9, $0xF7A;
	s5 =	simm.s32 @!p2 $0x0  }
0x1d: {  	s5 =	simm.s32 @p1 $0x1;
	p0 =	seq.s32 s7, s2  }
0x1e: {  	s7 =	smul.u32 @!p0 $0xF7A, s2;
	p2 =	seq.s32 @!p0 s5, $0x0  }
0x1f: {  	s9 =	smul.u32 $0xF7A, s1;
	s8 =	simm.s32 @!p0 $0x1BF5;
	p2 =	por !p2, p0  }
0x20: {  	[sflag:s8] =	ssyncset.s32 @!p0 $0xFFFFF086;
	s6 =	sadd.s32 @!p0 s3, s7;
	s7 =	simm.s32 @!p0 $0x108  }
0x21: {  	s3 =	sadd.s32 s3, s9;
	s6 =	sadd.s32 @!p0 $0x88, s6;
	s7 =	simm.s32 @p2 $0x1082  }
0x22: {  	[simem:s7], [sflag:s8] =	dma.local @!p0 [hbm:s6], $0xF7A  }
0x23: {  	s9 =	sor.u32 $0xD0000000, s2;
	s6 =	simm.s32 $0x108;
	_ =	swait.ge @!p0 [sflag:s8], $0x0  }
0x24: {  	s3 =	sadd.s32 $0x88, s3;
	s6 =	simm.s32 @!p1 $0x1082;
	[sflag:s4] =	ssyncset.s32 $0xFFFFF086  }
0x25: {  	[simem:s6], [sflag:s4] =	dma.local [hbm:s3], $0xF7A  }
0x26: {  	[smem:$0x3F9D] =	sst s1;
	(tag) =	ssettag s2;
	_ =	strace s9  }
0x27: {  	s1 =	sld [smem:$0x3FAD]  }
0x28: {  	s2 =	sld [smem:$0x3FAE]  }
0x29: {  	s4 =	sld [smem:$0x3FB0]  }
0x2a: {  	p0 =	seq.s32 s5, $0x0;
	s5 =	sld [smem:$0x3FB1]  }
0x2b: {  	s6 =	sld [smem:$0x3FB2]  }
0x2c: {  	s7 =	sld [smem:$0x3FB3]  }
0x2d: {  	s3 =	simm.s32 $0x108;
	s8 =	sld [smem:$0x3FB4]  }
0x2e: {  	s3 =	simm.s32 @!p0 $0x1082;
	s9 =	sld [smem:$0x3FB5]  }
0x2f: {  	lr =	sadd.s32 s0, s3;
	s0 =	sld [smem:$0x3FAC]  }
0x30: {  	s3 =	sld [smem:$0x3FAF]  }
0x31: {  	[smem:$0x3FB8] =	sst s10  }
0x32: {  	s10 =	sld [smem:$0x3FB6];
	_ =	sdelay $0x3  }
0x33: {  	p0 =	seq.s32 s10, $0x1;
	s10 =	sld [smem:$0x3FB8];
	_ =	sdelay $0x3  }
0x34: {  	[smem:$0x3FB8] =	sst s10  }
0x35: {  	s10 =	sld [smem:$0x3FB7];
	_ =	sdelay $0x3  }
0x36: {  	p1 =	seq.s32 s10, $0x1;
	s10 =	sld [smem:$0x3FB8];
	_ =	sdelay $0x3  }
0x37: {  	[smem:$0x3FB8] =	sst s10  }
0x38: {  	s10 =	sld [smem:$0x3FB9]  }
0x39: {  	_ = 	snop;
	(pc) =	sbr.ind lr, $3  }
0x3a: {  	_ = 	snop  }
0x3b: {  	_ = 	snop  }
0x3c: {  	p2 =	seq.s32 s10, $0x1;
	s10 =	sld [smem:$0x3FB8]  }
0x3d: {  	_ =	shalt  }
0x3e: {  	_ =	shalt  }
0x3f: {  	_ =	shalt  }
0x40: {  	_ =	shalt  }
0x41: {  	_ =	shalt  }
0x42: {  	_ =	shalt  }
0x43: {  	_ =	shalt  }
0x44: {  	_ =	shalt  }
0x45: {  	_ =	shalt  }
0x46: {  	_ =	shalt  }
0x47: {  	_ =	shalt  }
0x48: {  	_ =	shalt  }
0x49: {  	_ =	shalt  }
0x4a: {  	_ =	shalt  }
0x4b: {  	_ =	shalt  }
0x4c: {  	_ =	shalt  }
0x4d: {  	_ =	shalt  }
0x4e: {  	_ =	shalt  }
0x4f: {  	_ =	shalt  }
0x50: {  	_ =	shalt  }
0x51: {  	_ =	shalt  }
0x52: {  	_ =	shalt  }
0x53: {  	_ =	shalt  }
0x54: {  	_ =	shalt  }
0x55: {  	_ =	shalt  }
0x56: {  	_ =	shalt  }
0x57: {  	_ =	shalt  }
0x58: {  	_ =	shalt  }
0x59: {  	_ =	shalt  }
0x5a: {  	_ =	shalt  }
0x5b: {  	_ =	shalt  }
0x5c: {  	_ =	shalt  }
0x5d: {  	_ =	shalt  }
0x5e: {  	_ =	shalt  }
0x5f: {  	_ =	shalt  }
0x60: {  	_ =	shalt  }
0x61: {  	_ =	shalt  }
0x62: {  	_ =	shalt  }
0x63: {  	_ =	shalt  }
0x64: {  	_ =	shalt  }
0x65: {  	_ =	shalt  }
0x66: {  	_ =	shalt  }
0x67: {  	_ =	shalt  }
0x68: {  	_ =	shalt  }
0x69: {  	_ =	shalt  }
0x6a: {  	_ =	shalt  }
0x6b: {  	_ =	shalt  }
0x6c: {  	_ =	shalt  }
0x6d: {  	_ =	shalt  }
0x6e: {  	_ =	shalt  }
0x6f: {  	_ =	shalt  }
0x70: {  	_ =	shalt  }
0x71: {  	_ =	shalt  }
0x72: {  	_ =	shalt  }
0x73: {  	_ =	shalt  }
0x74: {  	_ =	shalt  }
0x75: {  	_ =	shalt  }
0x76: {  	_ =	shalt  }
0x77: {  	_ =	shalt  }
0x78: {  	_ =	shalt  }
0x79: {  	_ =	shalt  }
0x7a: {  	_ =	shalt  }
0x7b: {  	_ =	shalt  }
0x7c: {  	_ =	shalt  }
0x7d: {  	_ =	shalt  }
0x7e: {  	_ =	shalt  }
0x7f: {  	_ =	shalt  }
0x80: {  	_ =	shalt  }
0x81: {  	_ =	shalt  }
0x82: {  	_ =	shalt  }
0x83: {  	_ =	shalt  }
0x84: {  	_ =	shalt  }
0x85: {  	_ =	shalt  }
0x86: {  	_ =	shalt  }
0x87: {  	_ =	shalt  }
.Lfunc_end0:
.L_simem_size_0:
called_computation.1_lowered:
.L_overlay_start_0:
0x88: {  	s2 =	sld [smem:$0x3FD9]  }
0x89: {  	s3 =	sld [smem:$0x3FFE];
	_ =	sdelay $0x1  }
0x8a: {  	s1 =	srdreg.scid  }
0x8b: {  	s0 =	sand.u32 $0x1, s1  }
0x8c: {  	s17 =	sshll.u32 s0, $0xA;
	s2 =	sadd.s32 s3, s2  }
0x8d: {  	s2 =	sadd.s32 s2, s17  }
0x8e: {  	[smem:$0x3FC4] =	sst s2  }
0x8f: {  	_ = 	snop  }
0x90: {  	s2 =	sld [smem:$0x3FD0];
	(tm) =	ssettm $0x1  }
0x91: {  	s18 =	sld [smem:$0x3FFB];
	_ =	sdelay $0x3  }
0x92: {  	_ =	strace s18  }
0x93: {  	s3 =	sld [smem:$0x3FFC];
	_ =	sdelay $0x3  }
0x94: {  	_ =	strace s3  }
0x95: {  	s3 =	sld [smem:$0x3FFD];
	_ =	sdelay $0x3  }
0x96: {  	_ =	strace s3  }
0x97: {  	_ =	strace $0x8FFFFFFF  }
0x98: {  	s19 =	sld [smem:$0x3FDB];
	_ =	sdelay $0x1  }
0x99: {  	s4 =	simm.s32 $_scs_section_size  }
0x9a: {  	s5 =	simm.s32 $_size__tile_overlayer_lowered;
	s6 =	simm.s32 $_tile_overlayer_lowered  }
0x9b: {  	s22 =	simm.s32 $0x1BFF;
	s21 =	sshll.u32 s6, $0x1;
	s3 =	sadd.s32 s4, s19  }
0x9c: {  	s7 =	simm.s32 $0x0;
	s20 =	sshll.u32 s5, $0x1;
	s5 =	sadd.s32 s21, s3  }
0x9d: {  	[timem:s7], [sflag:s22] =	dma.local [hbm:s5], s20  }
0x9e: {  	_ =	swait.ge [sflag:s22], s20  }
0x9f: {  	s4 =	ssub.s32 $0x0, s20;
	[sflag:s22] =	ssyncset.done $0x0  }
0xa0: {  	[sflag:s22] =	ssyncadd.s32 s4;
	_ =	sdelay $0x1  }
0xa1: {  	s23 =	simm.s32 $0x1B8B  }
0xa2: {  	_ =	swait.ge [sflag:s23], $0x1  }
0xa3: {  	[sflag:s23] =	ssyncset.done $0x0  }
0xa4: {  	s25 =	simm.s32 $0x1B8E;
	s24 =	sld [smem:$0x3FFE];
	[sflag:s23] =	ssyncadd.s32 $0xFFFFFFFF  }
0xa5: {  	s26 =	simm.s32 $execute0_lowered;
	[smem:$0x3FD2] =	sst s25  }
0xa6: {  	s5 =	sshll.u32 s26, $0x1;
	_ =	strace $0x80000049;
	[dreg:$0x1] =	wrdreg $0xFFFFFFFF  }
0xa7: {  	s28 =	simm.s32 $_size_execute0_lowered;
	s3 =	sadd.s32 s3, s5;
	[dreg:$0x0] =	wrdreg $0x0  }
0xa8: {  	s5 =	sshll.u32 s28, $0x1;
	[dreg:$0x2] =	wrdreg s3  }
0xa9: {  	[dreg:$0x3] =	wrdreg s5  }
0xaa: {  	[dreg:$0x4] =	wrdreg $0xC0  }
0xab: {  	_ =	task [dreg:s7], $0x5FFFF  }
0xac: {  	[dreg:$0x1] =	wrdreg $0xFFFFFFFF  }
0xad: {  	[dreg:$0x0] =	wrdreg $0x60  }
0xae: {  	[dreg:$0x2] =	wrdreg s24  }
0xaf: {  	[dreg:$0x3] =	wrdreg s2  }
0xb0: {  	[dreg:$0x4] =	wrdreg $0x0  }
0xb1: {  	[dreg:$0x5] =	wrdreg $0x9  }
0xb2: {  	_ =	task.clear_ibuf [dreg:s7], $0x6FFFF;
	_ =	strace $0x90000049  }
0xb3: {  	s29 =	simm.s32 $0x9;
	_ =	strace $0x8000004B  }
0xb4: {  	_ =	swait.ge [sflag:s29], $0x1  }
0xb5: {  	[sflag:s29] =	ssyncadd.s32 $0xFFFFFFFF  }
0xb6: {  	_ =	strace $0x9000004B  }
0xb7: {  	_ =	sfence  }
0xb8: {  	s30 =	sld [smem:$0x0];
	_ =	sdelay $0x2  }
0xb9: {  	s31 =	sshll.u32 s1, $0xD;
	s1 =	sshrl.u32 s1, $0x2  }
0xba: {  	s3 =	sand.u32 $0x4000, s31;
	s1 =	sadd.s32 s1, s30  }
0xbb: {  	s0 =	sor.u32 s3, s0;
	s1 =	sshll.u32 s1, $0x11  }
0xbc: {  	s0 =	sor.u32 s1, s0  }
0xbd: {  	s0 =	sadd.s32 $0x8F2B, s0  }
0xbe: {  	[sflag:s0] =	ssyncadd.remote.s32 $0x1  }
0xbf: {  	_ =	sfence.sel $0xFFFF  }
0xc0: {  	[dreg:$0x0] =	wrdreg $0xFFFFFFFF;
	(pc) =	sbr.abs _section_cstart, $3  }
0xc1: {  	[dreg:$0x1] =	wrdreg $0xFFFFFFFF  }
0xc2: {  	_ =	task.clear_ibuf [dreg:s7], $0x2FFFF;
	_ =	strace $0x9FFFFFFF  }
0xc3: {  	(tm) =	ssettm $0x7FFFFFFF  }
tec
execute0_lowered:
.L_overlay_start_1:
0x0: {  	(tag) =	ssettag $0x1  }
0x1: {  	s0 =	rddreg [dreg:$0x0];
	s1 =	srdreg.scid  }
0x2: {  	s9 =	stileid.u32;
	s5 =	rddreg [dreg:$0x1]  }
0x3: {  	s2 =	rddreg [dreg:$0x2];
	s3 =	simm.s32 $0x0;
	s11 =	simm.s32 $0x14880  }
0x4: {  	s12 =	simm.s32 $0x14100;
	[smem:$0x7FF] =	sst s3;
	s10 =	sadd.s32 $0x33600, s0  }
0x5: {  	s14 =	simm.s32 $0x14180;
	_ =	strace $0x8000004A;
	[dreg:$0x16] =	wrdreg s10  }
0x6: {  	s15 =	simm.s32 $0x14900;
	s16 =	simm.s32 $0x14980;
	[dreg:$0x7] =	wrdreg s11  }
0x7: {  	s17 =	simm.s32 $0x14200;
	s18 =	simm.s32 $0x14280;
	[dreg:$0x8] =	wrdreg s12  }
0x8: {  	s19 =	simm.s32 $0x14A00;
	s20 =	simm.s32 $0x14A80;
	[dreg:$0x9] =	wrdreg s14  }
0x9: {  	s21 =	simm.s32 $0x14300;
	s22 =	simm.s32 $0x14380;
	[dreg:$0xa] =	wrdreg s15  }
0xa: {  	s23 =	simm.s32 $0x14B00;
	s28 =	simm.s32 $0x14680;
	[dreg:$0xb] =	wrdreg s16  }
0xb: {  	s29 =	simm.s32 $0x14E00;
	s30 =	simm.s32 $0x14E80;
	[dreg:$0xc] =	wrdreg s17  }
0xc: {  	s31 =	simm.s32 $0x14700;
	s4 =	smul.u32 $0x2800, s9;
	[dreg:$0xd] =	wrdreg s18  }
0xd: {  	s1 =	sand.u32 $0x1, s1;
	s25 =	smul.u32 $0x50000, s9;
	[dreg:$0xe] =	wrdreg s19  }
0xe: {  	s13 =	sshll.u32 s9, $0x6;
	s9 =	simm.s32 $0x0;
	[dreg:$0xf] =	wrdreg s20  }
0xf: {  	s6 =	smul.u32 $0x28000, s1;
	s1 =	ssub.s32 $0x2, s1;
	[dreg:$0x10] =	wrdreg s21  }
0x10: {  	s11 =	simm.s32 $0x14000;
	s12 =	simm.s32 $0x14800;
	[dreg:$0x11] =	wrdreg s22  }
0x11: {  	s14 =	simm.s32 $0x15000;
	s15 =	simm.s32 $0x19000;
	[dreg:$0x12] =	wrdreg s23  }
0x12: {  	s16 =	simm.s32 $0x1;
	s17 =	simm.s32 $0x2;
	s18 =	simm.s32 $0x3  }
0x13: {  	s19 =	simm.s32 $0x4;
	s20 =	simm.s32 $0x14C00;
	s21 =	simm.s32 $0x14C80  }
0x14: {  	s22 =	simm.s32 $0x14500;
	s23 =	simm.s32 $0x14580;
	s24 =	sshrl.u32 s1, $0x1  }
0x15: {  	s10 =	sshrl.u32 s25, $0x2;
	s25 =	simm.s32 $0x14400;
	s6 =	sadd.s32 s4, s6  }
0x16: {  	s4 =	sadd.s32 $0xB600, s0;
	s1 =	ssub.s32 s1, s24;
	s24 =	simm.s32 $0x14B80  }
0x17: {  	[dreg:$0x14] =	wrdreg s25;
	s25 =	simm.s32 $0x14D80;
	s7 =	sshrl.u32 s6, $0x3  }
0x18: {  	s1 =	smax.u32 s1, $0x1;
	[dreg:$0x13] =	wrdreg s24;
	s24 =	simm.s32 $0x14D00  }
0x19: {  	s8 =	sadd.s32 s7, s0;
	s5 =	sadd.s32 s7, s5;
	[dreg:$0x19] =	wrdreg s1  }
0x1a: {  	s0 =	sadd.s32 s6, s0;
	s7 =	sor.u32 $0x1C05, s13;
	[dreg:$0x4] =	wrdreg s5  }
0x1b: {  	s6 =	sadd.s32 s10, s2;
	s26 =	sadd.s32 $0x1600, s8;
	[dreg:$0x17] =	wrdreg s7  }
0x1c: {  	s10 =	simm.s32 $0x5;
	s8 =	simm.s32 $0x14080;
	[dreg:$0x5] =	wrdreg s26  }
0x1d: {  	s13 =	simm.s32 $0x80;
	s0 =	sadd.s32 $0x35E00, s0;
	[dreg:$0x6] =	wrdreg s8  }
0x1e: {  	s1 =	simm.s32 $0x14780;
	[dreg:$0x18] =	wrdreg s0;
	s26 =	simm.s32 $0x14480  }
0x1f: {  	s5 =	simm.s32 $0x14F80;
	s8 =	sshrl.u32 s6, $0x3;
	[dreg:$0x15] =	wrdreg s26  }
0x20: {  	s0 =	simm.s32 $0x14F00;
	s26 =	simm.s32 $0x14600;
	[dreg:$0x1a] =	wrdreg s8  }
.LBB2_1:
0x21: {  	[dreg:$0x1b] =	wrdreg s9  }
0x22: {  	s6 =	rddreg [dreg:$0x16]  }
0x23: {  	[spmem:s8], [sflag:s7] =	dma.local [hbm:s6], $0x2800  }
0x24: {  	_ =	swait.ge [sflag:s10], $0x2800  }
0x25: {  	[sflag:s10] =	ssyncset.done $0x0  }
0x26: {  	[sflag:s10] =	ssyncadd.s32 $0xFFFFD800  }
0x27: {  	[bflag:$0x0] =	sbarrier.arrive $0xFFFF  }
0x28: {  	s8 =	rddreg [dreg:$0x5]  }
0x29: {  	s6 =	sadd.s32 $0x0, s8  }
0x2a: {  	[tilespmem:s11], [sflag:$0x5] =	stream.linear.gather [hbm4b:s6+s3], $0x800, $0x38;
	[tilespmem:$0x1D000] =	vst v63  }
0x2b: {  	_ =	swait.ge [sflag:s10], $0x800  }
0x2c: {  	s9 =	rddreg [dreg:$0x4];
	[sflag:s10] =	ssyncset.done $0x0  }
0x2d: {  	[sflag:s10] =	ssyncadd.s32 $0xFFFFF800;
	s6 =	sadd.s32 $0x0, s9  }
0x2e: {  	[tilespmem:s12], [sflag:$0x5] =	stream.linear.gather [hbm4b:s6+s3], $0x800, $0x38;
	[tilespmem:$0x1D000] =	vst v63  }
0x2f: {  	_ =	swait.ge [sflag:s10], $0x800  }
0x30: {  	[sflag:s10] =	ssyncset.done $0x0  }
0x31: {  	[sflag:s10] =	ssyncadd.s32 $0xFFFFF800  }
0x32: {  	[tilespmem:s14], [sflag:$0x1] =	stream.indirect.gather [hbm4b:s4+s13], $0x80, s11, s13, $0xb8;
	[tilespmem:$0x1D000] =	vst v63  }
0x33: {  	s7 =	rddreg [dreg:$0x6]  }
0x34: {  	[tilespmem:s15], [sflag:$0x2] =	stream.indirect.gather [hbm4b:s4+s13], $0x80, s7, s13, $0xb8;
	[tilespmem:$0x1D000] =	vst v63  }
0x35: {  	_ =	swait.ge [sflag:s16], $0x4000  }
0x36: {  	[sflag:s16] =	ssyncset.done $0x0  }
0x37: {  	[sflag:s16] =	ssyncadd.s32 $0xFFFFC000  }
0x38: {  	[spmem:s2] =	stream.indirect.scatter.add.f32 [tilespmem:s14], [sflag:$0x3], $0x80, s12, s13, $0xb8;
	[tilespmem:$0x1D000] =	vst v63  }
0x39: {  	_ =	swait.ge [sflag:s17], $0x4000  }
0x3a: {  	[sflag:s17] =	ssyncset.done $0x0  }
0x3b: {  	s8 =	rddreg [dreg:$0x7];
	[sflag:s17] =	ssyncadd.s32 $0xFFFFC000  }
0x3c: {  	[spmem:s2] =	stream.indirect.scatter.add.f32 [tilespmem:s15], [sflag:$0x4], $0x80, s8, s13, $0xb8;
	[tilespmem:$0x1D000] =	vst v63  }
0x3d: {  	_ =	swait.ge [sflag:s18], $0x4000  }
0x3e: {  	[sflag:s18] =	ssyncset.done $0x0  }
0x3f: {  	[sflag:s18] =	ssyncadd.s32 $0xFFFFC000  }
0x40: {  	_ =	swait.ge [sflag:s19], $0x4000  }
0x41: {  	[sflag:s19] =	ssyncset.done $0x0  }
0x42: {  	s9 =	rddreg [dreg:$0x8];
	[sflag:s19] =	ssyncadd.s32 $0xFFFFC000  }
0x43: {  	[tilespmem:s14], [sflag:$0x1] =	stream.indirect.gather [hbm4b:s4+s13], $0x80, s9, s13, $0xb8;
	[tilespmem:$0x1D000] =	vst v63  }
0x44: {  	s7 =	rddreg [dreg:$0x9]  }
0x45: {  	[tilespmem:s15], [sflag:$0x2] =	stream.indirect.gather [hbm4b:s4+s13], $0x80, s7, s13, $0xb8;
	[tilespmem:$0x1D000] =	vst v63  }
0x46: {  	_ =	swait.ge [sflag:s16], $0x4000  }
0x47: {  	[sflag:s16] =	ssyncset.done $0x0  }
0x48: {  	s9 =	rddreg [dreg:$0xa];
	[sflag:s16] =	ssyncadd.s32 $0xFFFFC000  }
0x49: {  	[spmem:s2] =	stream.indirect.scatter.add.f32 [tilespmem:s14], [sflag:$0x3], $0x80, s9, s13, $0xb8;
	[tilespmem:$0x1D000] =	vst v63  }
0x4a: {  	_ =	swait.ge [sflag:s17], $0x4000  }
0x4b: {  	[sflag:s17] =	ssyncset.done $0x0  }
0x4c: {  	s7 =	rddreg [dreg:$0xb];
	[sflag:s17] =	ssyncadd.s32 $0xFFFFC000  }
0x4d: {  	[spmem:s2] =	stream.indirect.scatter.add.f32 [tilespmem:s15], [sflag:$0x4], $0x80, s7, s13, $0xb8;
	[tilespmem:$0x1D000] =	vst v63  }
0x4e: {  	_ =	swait.ge [sflag:s18], $0x4000  }
0x4f: {  	[sflag:s18] =	ssyncset.done $0x0  }
0x50: {  	[sflag:s18] =	ssyncadd.s32 $0xFFFFC000  }
0x51: {  	_ =	swait.ge [sflag:s19], $0x4000  }
0x52: {  	[sflag:s19] =	ssyncset.done $0x0  }
0x53: {  	s8 =	rddreg [dreg:$0xc];
	[sflag:s19] =	ssyncadd.s32 $0xFFFFC000  }
0x54: {  	[tilespmem:s14], [sflag:$0x1] =	stream.indirect.gather [hbm4b:s4+s13], $0x80, s8, s13, $0xb8;
	[tilespmem:$0x1D000] =	vst v63  }
0x55: {  	s9 =	rddreg [dreg:$0xd]  }
0x56: {  	[tilespmem:s15], [sflag:$0x2] =	stream.indirect.gather [hbm4b:s4+s13], $0x80, s9, s13, $0xb8;
	[tilespmem:$0x1D000] =	vst v63  }
0x57: {  	_ =	swait.ge [sflag:s16], $0x4000  }
0x58: {  	[sflag:s16] =	ssyncset.done $0x0  }
0x59: {  	s7 =	rddreg [dreg:$0xe];
	[sflag:s16] =	ssyncadd.s32 $0xFFFFC000  }
0x5a: {  	[spmem:s2] =	stream.indirect.scatter.add.f32 [tilespmem:s14], [sflag:$0x3], $0x80, s7, s13, $0xb8;
	[tilespmem:$0x1D000] =	vst v63  }
0x5b: {  	_ =	swait.ge [sflag:s17], $0x4000  }
0x5c: {  	[sflag:s17] =	ssyncset.done $0x0  }
0x5d: {  	s8 =	rddreg [dreg:$0xf];
	[sflag:s17] =	ssyncadd.s32 $0xFFFFC000  }
0x5e: {  	[spmem:s2] =	stream.indirect.scatter.add.f32 [tilespmem:s15], [sflag:$0x4], $0x80, s8, s13, $0xb8;
	[tilespmem:$0x1D000] =	vst v63  }
0x5f: {  	_ =	swait.ge [sflag:s18], $0x4000  }
0x60: {  	[sflag:s18] =	ssyncset.done $0x0  }
0x61: {  	[sflag:s18] =	ssyncadd.s32 $0xFFFFC000  }
0x62: {  	_ =	swait.ge [sflag:s19], $0x4000  }
0x63: {  	[sflag:s19] =	ssyncset.done $0x0  }
0x64: {  	s9 =	rddreg [dreg:$0x10];
	[sflag:s19] =	ssyncadd.s32 $0xFFFFC000  }
0x65: {  	[tilespmem:s14], [sflag:$0x1] =	stream.indirect.gather [hbm4b:s4+s13], $0x80, s9, s13, $0xb8;
	[tilespmem:$0x1D000] =	vst v63  }
0x66: {  	s7 =	rddreg [dreg:$0x11]  }
0x67: {  	[tilespmem:s15], [sflag:$0x2] =	stream.indirect.gather [hbm4b:s4+s13], $0x80, s7, s13, $0xb8;
	[tilespmem:$0x1D000] =	vst v63  }
0x68: {  	_ =	swait.ge [sflag:s16], $0x4000  }
0x69: {  	[sflag:s16] =	ssyncset.done $0x0  }
0x6a: {  	s9 =	rddreg [dreg:$0x12];
	[sflag:s16] =	ssyncadd.s32 $0xFFFFC000  }
0x6b: {  	[spmem:s2] =	stream.indirect.scatter.add.f32 [tilespmem:s14], [sflag:$0x3], $0x80, s9, s13, $0xb8;
	[tilespmem:$0x1D000] =	vst v63  }
0x6c: {  	_ =	swait.ge [sflag:s17], $0x4000  }
0x6d: {  	[sflag:s17] =	ssyncset.done $0x0  }
0x6e: {  	s7 =	rddreg [dreg:$0x13];
	[sflag:s17] =	ssyncadd.s32 $0xFFFFC000  }
0x6f: {  	[spmem:s2] =	stream.indirect.scatter.add.f32 [tilespmem:s15], [sflag:$0x4], $0x80, s7, s13, $0xb8;
	[tilespmem:$0x1D000] =	vst v63  }
0x70: {  	_ =	swait.ge [sflag:s18], $0x4000  }
0x71: {  	[sflag:s18] =	ssyncset.done $0x0  }
0x72: {  	[sflag:s18] =	ssyncadd.s32 $0xFFFFC000  }
0x73: {  	_ =	swait.ge [sflag:s19], $0x4000  }
0x74: {  	[sflag:s19] =	ssyncset.done $0x0  }
0x75: {  	s8 =	rddreg [dreg:$0x14];
	[sflag:s19] =	ssyncadd.s32 $0xFFFFC000  }
0x76: {  	[tilespmem:s14], [sflag:$0x1] =	stream.indirect.gather [hbm4b:s4+s13], $0x80, s8, s13, $0xb8;
	[tilespmem:$0x1D000] =	vst v63  }
0x77: {  	s9 =	rddreg [dreg:$0x15]  }
0x78: {  	[tilespmem:s15], [sflag:$0x2] =	stream.indirect.gather [hbm4b:s4+s13], $0x80, s9, s13, $0xb8;
	[tilespmem:$0x1D000] =	vst v63  }
0x79: {  	_ =	swait.ge [sflag:s16], $0x4000  }
0x7a: {  	[sflag:s16] =	ssyncset.done $0x0  }
0x7b: {  	[sflag:s16] =	ssyncadd.s32 $0xFFFFC000  }
0x7c: {  	[spmem:s2] =	stream.indirect.scatter.add.f32 [tilespmem:s14], [sflag:$0x3], $0x80, s20, s13, $0xb8;
	[tilespmem:$0x1D000] =	vst v63  }
0x7d: {  	_ =	swait.ge [sflag:s17], $0x4000  }
0x7e: {  	[sflag:s17] =	ssyncset.done $0x0  }
0x7f: {  	[sflag:s17] =	ssyncadd.s32 $0xFFFFC000  }
0x80: {  	[spmem:s2] =	stream.indirect.scatter.add.f32 [tilespmem:s15], [sflag:$0x4], $0x80, s21, s13, $0xb8;
	[tilespmem:$0x1D000] =	vst v63  }
0x81: {  	_ =	swait.ge [sflag:s18], $0x4000  }
0x82: {  	[sflag:s18] =	ssyncset.done $0x0  }
0x83: {  	[sflag:s18] =	ssyncadd.s32 $0xFFFFC000  }
0x84: {  	_ =	swait.ge [sflag:s19], $0x4000  }
0x85: {  	[sflag:s19] =	ssyncset.done $0x0  }
0x86: {  	[sflag:s19] =	ssyncadd.s32 $0xFFFFC000  }
0x87: {  	[tilespmem:s14], [sflag:$0x1] =	stream.indirect.gather [hbm4b:s4+s13], $0x80, s22, s13, $0xb8;
	[tilespmem:$0x1D000] =	vst v63  }
0x88: {  	_ = 	snop  }
0x89: {  	[tilespmem:s15], [sflag:$0x2] =	stream.indirect.gather [hbm4b:s4+s13], $0x80, s23, s13, $0xb8;
	[tilespmem:$0x1D000] =	vst v63  }
0x8a: {  	_ =	swait.ge [sflag:s16], $0x4000  }
0x8b: {  	[sflag:s16] =	ssyncset.done $0x0  }
0x8c: {  	[sflag:s16] =	ssyncadd.s32 $0xFFFFC000  }
0x8d: {  	[spmem:s2] =	stream.indirect.scatter.add.f32 [tilespmem:s14], [sflag:$0x3], $0x80, s24, s13, $0xb8;
	[tilespmem:$0x1D000] =	vst v63  }
0x8e: {  	_ =	swait.ge [sflag:s17], $0x4000  }
0x8f: {  	[sflag:s17] =	ssyncset.done $0x0  }
0x90: {  	[sflag:s17] =	ssyncadd.s32 $0xFFFFC000  }
0x91: {  	[spmem:s2] =	stream.indirect.scatter.add.f32 [tilespmem:s15], [sflag:$0x4], $0x80, s25, s13, $0xb8;
	[tilespmem:$0x1D000] =	vst v63  }
0x92: {  	_ =	swait.ge [sflag:s18], $0x4000  }
0x93: {  	[sflag:s18] =	ssyncset.done $0x0  }
0x94: {  	[sflag:s18] =	ssyncadd.s32 $0xFFFFC000  }
0x95: {  	_ =	swait.ge [sflag:s19], $0x4000  }
0x96: {  	[sflag:s19] =	ssyncset.done $0x0  }
0x97: {  	[sflag:s19] =	ssyncadd.s32 $0xFFFFC000  }
0x98: {  	[tilespmem:s14], [sflag:$0x1] =	stream.indirect.gather [hbm4b:s4+s13], $0x80, s26, s13, $0xb8;
	[tilespmem:$0x1D000] =	vst v63  }
0x99: {  	_ = 	snop  }
0x9a: {  	[tilespmem:s15], [sflag:$0x2] =	stream.indirect.gather [hbm4b:s4+s13], $0x80, s28, s13, $0xb8;
	[tilespmem:$0x1D000] =	vst v63  }
0x9b: {  	_ =	swait.ge [sflag:s16], $0x4000  }
0x9c: {  	[sflag:s16] =	ssyncset.done $0x0  }
0x9d: {  	[sflag:s16] =	ssyncadd.s32 $0xFFFFC000  }
0x9e: {  	[spmem:s2] =	stream.indirect.scatter.add.f32 [tilespmem:s14], [sflag:$0x3], $0x80, s29, s13, $0xb8;
	[tilespmem:$0x1D000] =	vst v63  }
0x9f: {  	_ =	swait.ge [sflag:s17], $0x4000  }
0xa0: {  	[sflag:s17] =	ssyncset.done $0x0  }
0xa1: {  	[sflag:s17] =	ssyncadd.s32 $0xFFFFC000  }
0xa2: {  	[spmem:s2] =	stream.indirect.scatter.add.f32 [tilespmem:s15], [sflag:$0x4], $0x80, s30, s13, $0xb8;
	[tilespmem:$0x1D000] =	vst v63  }
0xa3: {  	_ =	swait.ge [sflag:s18], $0x4000  }
0xa4: {  	[sflag:s18] =	ssyncset.done $0x0  }
0xa5: {  	[sflag:s18] =	ssyncadd.s32 $0xFFFFC000  }
0xa6: {  	_ =	swait.ge [sflag:s19], $0x4000  }
0xa7: {  	[sflag:s19] =	ssyncset.done $0x0  }
0xa8: {  	[sflag:s19] =	ssyncadd.s32 $0xFFFFC000  }
0xa9: {  	[tilespmem:s14], [sflag:$0x1] =	stream.indirect.gather [hbm4b:s4+s13], $0x80, s31, s13, $0xb8;
	[tilespmem:$0x1D000] =	vst v63  }
0xaa: {  	_ = 	snop  }
0xab: {  	[tilespmem:s15], [sflag:$0x2] =	stream.indirect.gather [hbm4b:s4+s13], $0x80, s1, s13, $0xb8;
	[tilespmem:$0x1D000] =	vst v63  }
0xac: {  	_ =	swait.ge [sflag:s16], $0x4000  }
0xad: {  	[sflag:s16] =	ssyncset.done $0x0  }
0xae: {  	[sflag:s16] =	ssyncadd.s32 $0xFFFFC000  }
0xaf: {  	[spmem:s2] =	stream.indirect.scatter.add.f32 [tilespmem:s14], [sflag:$0x3], $0x80, s0, s13, $0xb8;
	[tilespmem:$0x1D000] =	vst v63  }
0xb0: {  	_ =	swait.ge [sflag:s17], $0x4000  }
0xb1: {  	[sflag:s17] =	ssyncset.done $0x0  }
0xb2: {  	[sflag:s17] =	ssyncadd.s32 $0xFFFFC000  }
0xb3: {  	[spmem:s2] =	stream.indirect.scatter.add.f32 [tilespmem:s15], [sflag:$0x4], $0x80, s5, s13, $0xb8;
	[tilespmem:$0x1D000] =	vst v63  }
0xb4: {  	_ =	swait.ge [sflag:s18], $0x4000  }
0xb5: {  	[sflag:s18] =	ssyncset.done $0x0  }
0xb6: {  	[sflag:s18] =	ssyncadd.s32 $0xFFFFC000  }
0xb7: {  	s6 =	simm.s32 $0x200;
	_ =	swait.ge [sflag:s19], $0x4000  }
0xb8: {  	s8 =	simm.s32 $0x100;
	s9 =	rddreg [dreg:$0x5];
	[sflag:s19] =	ssyncset.done $0x0  }
.LBB2_2:
0xb9: {  	[sflag:s19] =	ssyncadd.s32 $0xFFFFC000;
	s9 =	sadd.s32 s8, s9  }
0xba: {  	[tilespmem:s11], [sflag:$0x5] =	stream.linear.gather [hbm4b:s9+s3], $0x800, $0x38;
	[tilespmem:$0x1D000] =	vst v63  }
0xbb: {  	_ =	swait.ge [sflag:s10], $0x800  }
0xbc: {  	s9 =	rddreg [dreg:$0x4];
	[sflag:s10] =	ssyncset.done $0x0  }
0xbd: {  	[sflag:s10] =	ssyncadd.s32 $0xFFFFF800;
	s9 =	sadd.s32 s8, s9  }
0xbe: {  	[tilespmem:s12], [sflag:$0x5] =	stream.linear.gather [hbm4b:s9+s3], $0x800, $0x38;
	[tilespmem:$0x1D000] =	vst v63  }
0xbf: {  	_ =	swait.ge [sflag:s10], $0x800  }
0xc0: {  	[sflag:s10] =	ssyncset.done $0x0  }
0xc1: {  	[sflag:s10] =	ssyncadd.s32 $0xFFFFF800  }
0xc2: {  	[tilespmem:s14], [sflag:$0x1] =	stream.indirect.gather [hbm4b:s4+s13], $0x80, s11, s13, $0xb8;
	[tilespmem:$0x1D000] =	vst v63  }
0xc3: {  	s9 =	rddreg [dreg:$0x6]  }
0xc4: {  	[tilespmem:s15], [sflag:$0x2] =	stream.indirect.gather [hbm4b:s4+s13], $0x80, s9, s13, $0xb8;
	[tilespmem:$0x1D000] =	vst v63  }
0xc5: {  	_ =	swait.ge [sflag:s16], $0x4000  }
0xc6: {  	[sflag:s16] =	ssyncset.done $0x0  }
0xc7: {  	[sflag:s16] =	ssyncadd.s32 $0xFFFFC000  }
0xc8: {  	[spmem:s2] =	stream.indirect.scatter.add.f32 [tilespmem:s14], [sflag:$0x3], $0x80, s12, s13, $0xb8;
	[tilespmem:$0x1D000] =	vst v63  }
0xc9: {  	_ =	swait.ge [sflag:s17], $0x4000  }
0xca: {  	[sflag:s17] =	ssyncset.done $0x0  }
0xcb: {  	s9 =	rddreg [dreg:$0x7];
	[sflag:s17] =	ssyncadd.s32 $0xFFFFC000  }
0xcc: {  	[spmem:s2] =	stream.indirect.scatter.add.f32 [tilespmem:s15], [sflag:$0x4], $0x80, s9, s13, $0xb8;
	[tilespmem:$0x1D000] =	vst v63  }
0xcd: {  	_ =	swait.ge [sflag:s18], $0x4000  }
0xce: {  	[sflag:s18] =	ssyncset.done $0x0  }
0xcf: {  	[sflag:s18] =	ssyncadd.s32 $0xFFFFC000  }
0xd0: {  	_ =	swait.ge [sflag:s19], $0x4000  }
0xd1: {  	s7 =	smov.u32 s6;
	[sflag:s19] =	ssyncset.done $0x0  }
0xd2: {  	s8 =	smov.u32 s7;
	s7 =	rddreg [dreg:$0x8];
	[sflag:s19] =	ssyncadd.s32 $0xFFFFC000  }
0xd3: {  	[tilespmem:s14], [sflag:$0x1] =	stream.indirect.gather [hbm4b:s4+s13], $0x80, s7, s13, $0xb8;
	[tilespmem:$0x1D000] =	vst v63  }
0xd4: {  	s9 =	rddreg [dreg:$0x9]  }
0xd5: {  	[tilespmem:s15], [sflag:$0x2] =	stream.indirect.gather [hbm4b:s4+s13], $0x80, s9, s13, $0xb8;
	[tilespmem:$0x1D000] =	vst v63  }
0xd6: {  	_ =	swait.ge [sflag:s16], $0x4000  }
0xd7: {  	[sflag:s16] =	ssyncset.done $0x0  }
0xd8: {  	s9 =	rddreg [dreg:$0xa];
	[sflag:s16] =	ssyncadd.s32 $0xFFFFC000  }
0xd9: {  	[spmem:s2] =	stream.indirect.scatter.add.f32 [tilespmem:s14], [sflag:$0x3], $0x80, s9, s13, $0xb8;
	[tilespmem:$0x1D000] =	vst v63  }
0xda: {  	_ =	swait.ge [sflag:s17], $0x4000  }
0xdb: {  	[sflag:s17] =	ssyncset.done $0x0  }
0xdc: {  	s9 =	rddreg [dreg:$0xb];
	[sflag:s17] =	ssyncadd.s32 $0xFFFFC000  }
0xdd: {  	[spmem:s2] =	stream.indirect.scatter.add.f32 [tilespmem:s15], [sflag:$0x4], $0x80, s9, s13, $0xb8;
	[tilespmem:$0x1D000] =	vst v63  }
0xde: {  	_ =	swait.ge [sflag:s18], $0x4000  }
0xdf: {  	[sflag:s18] =	ssyncset.done $0x0  }
0xe0: {  	[sflag:s18] =	ssyncadd.s32 $0xFFFFC000  }
0xe1: {  	_ =	swait.ge [sflag:s19], $0x4000  }
0xe2: {  	[sflag:s19] =	ssyncset.done $0x0  }
0xe3: {  	s7 =	rddreg [dreg:$0xc];
	[sflag:s19] =	ssyncadd.s32 $0xFFFFC000  }
0xe4: {  	[tilespmem:s14], [sflag:$0x1] =	stream.indirect.gather [hbm4b:s4+s13], $0x80, s7, s13, $0xb8;
	[tilespmem:$0x1D000] =	vst v63  }
0xe5: {  	s9 =	rddreg [dreg:$0xd]  }
0xe6: {  	[tilespmem:s15], [sflag:$0x2] =	stream.indirect.gather [hbm4b:s4+s13], $0x80, s9, s13, $0xb8;
	[tilespmem:$0x1D000] =	vst v63  }
0xe7: {  	_ =	swait.ge [sflag:s16], $0x4000  }
0xe8: {  	[sflag:s16] =	ssyncset.done $0x0  }
0xe9: {  	s9 =	rddreg [dreg:$0xe];
	[sflag:s16] =	ssyncadd.s32 $0xFFFFC000  }
0xea: {  	[spmem:s2] =	stream.indirect.scatter.add.f32 [tilespmem:s14], [sflag:$0x3], $0x80, s9, s13, $0xb8;
	[tilespmem:$0x1D000] =	vst v63  }
0xeb: {  	_ =	swait.ge [sflag:s17], $0x4000  }
0xec: {  	[sflag:s17] =	ssyncset.done $0x0  }
0xed: {  	s9 =	rddreg [dreg:$0xf];
	[sflag:s17] =	ssyncadd.s32 $0xFFFFC000  }
0xee: {  	[spmem:s2] =	stream.indirect.scatter.add.f32 [tilespmem:s15], [sflag:$0x4], $0x80, s9, s13, $0xb8;
	[tilespmem:$0x1D000] =	vst v63  }
0xef: {  	_ =	swait.ge [sflag:s18], $0x4000  }
0xf0: {  	[sflag:s18] =	ssyncset.done $0x0  }
0xf1: {  	[sflag:s18] =	ssyncadd.s32 $0xFFFFC000  }
0xf2: {  	_ =	swait.ge [sflag:s19], $0x4000  }
0xf3: {  	[sflag:s19] =	ssyncset.done $0x0  }
0xf4: {  	s7 =	rddreg [dreg:$0x10];
	[sflag:s19] =	ssyncadd.s32 $0xFFFFC000  }
0xf5: {  	[tilespmem:s14], [sflag:$0x1] =	stream.indirect.gather [hbm4b:s4+s13], $0x80, s7, s13, $0xb8;
	[tilespmem:$0x1D000] =	vst v63  }
0xf6: {  	s9 =	rddreg [dreg:$0x11]  }
0xf7: {  	[tilespmem:s15], [sflag:$0x2] =	stream.indirect.gather [hbm4b:s4+s13], $0x80, s9, s13, $0xb8;
	[tilespmem:$0x1D000] =	vst v63  }
0xf8: {  	_ =	swait.ge [sflag:s16], $0x4000  }
0xf9: {  	[sflag:s16] =	ssyncset.done $0x0  }
0xfa: {  	s9 =	rddreg [dreg:$0x12];
	[sflag:s16] =	ssyncadd.s32 $0xFFFFC000  }
0xfb: {  	[spmem:s2] =	stream.indirect.scatter.add.f32 [tilespmem:s14], [sflag:$0x3], $0x80, s9, s13, $0xb8;
	[tilespmem:$0x1D000] =	vst v63  }
0xfc: {  	_ =	swait.ge [sflag:s17], $0x4000  }
0xfd: {  	[sflag:s17] =	ssyncset.done $0x0  }
0xfe: {  	s9 =	rddreg [dreg:$0x13];
	[sflag:s17] =	ssyncadd.s32 $0xFFFFC000  }
0xff: {  	[spmem:s2] =	stream.indirect.scatter.add.f32 [tilespmem:s15], [sflag:$0x4], $0x80, s9, s13, $0xb8;
	[tilespmem:$0x1D000] =	vst v63  }
0x100: {  	_ =	swait.ge [sflag:s18], $0x4000  }
0x101: {  	[sflag:s18] =	ssyncset.done $0x0  }
0x102: {  	[sflag:s18] =	ssyncadd.s32 $0xFFFFC000  }
0x103: {  	_ =	swait.ge [sflag:s19], $0x4000  }
0x104: {  	[sflag:s19] =	ssyncset.done $0x0  }
0x105: {  	s7 =	rddreg [dreg:$0x14];
	[sflag:s19] =	ssyncadd.s32 $0xFFFFC000  }
0x106: {  	[tilespmem:s14], [sflag:$0x1] =	stream.indirect.gather [hbm4b:s4+s13], $0x80, s7, s13, $0xb8;
	[tilespmem:$0x1D000] =	vst v63  }
0x107: {  	s9 =	rddreg [dreg:$0x15]  }
0x108: {  	[tilespmem:s15], [sflag:$0x2] =	stream.indirect.gather [hbm4b:s4+s13], $0x80, s9, s13, $0xb8;
	[tilespmem:$0x1D000] =	vst v63  }
0x109: {  	_ =	swait.ge [sflag:s16], $0x4000  }
0x10a: {  	[sflag:s16] =	ssyncset.done $0x0  }
0x10b: {  	[sflag:s16] =	ssyncadd.s32 $0xFFFFC000  }
0x10c: {  	[spmem:s2] =	stream.indirect.scatter.add.f32 [tilespmem:s14], [sflag:$0x3], $0x80, s20, s13, $0xb8;
	[tilespmem:$0x1D000] =	vst v63  }
0x10d: {  	_ =	swait.ge [sflag:s17], $0x4000  }
0x10e: {  	[sflag:s17] =	ssyncset.done $0x0  }
0x10f: {  	[sflag:s17] =	ssyncadd.s32 $0xFFFFC000  }
0x110: {  	[spmem:s2] =	stream.indirect.scatter.add.f32 [tilespmem:s15], [sflag:$0x4], $0x80, s21, s13, $0xb8;
	[tilespmem:$0x1D000] =	vst v63  }
0x111: {  	_ =	swait.ge [sflag:s18], $0x4000  }
0x112: {  	[sflag:s18] =	ssyncset.done $0x0  }
0x113: {  	[sflag:s18] =	ssyncadd.s32 $0xFFFFC000  }
0x114: {  	_ =	swait.ge [sflag:s19], $0x4000  }
0x115: {  	[sflag:s19] =	ssyncset.done $0x0  }
0x116: {  	[sflag:s19] =	ssyncadd.s32 $0xFFFFC000  }
0x117: {  	[tilespmem:s14], [sflag:$0x1] =	stream.indirect.gather [hbm4b:s4+s13], $0x80, s22, s13, $0xb8;
	[tilespmem:$0x1D000] =	vst v63  }
0x118: {  	_ = 	snop  }
0x119: {  	[tilespmem:s15], [sflag:$0x2] =	stream.indirect.gather [hbm4b:s4+s13], $0x80, s23, s13, $0xb8;
	[tilespmem:$0x1D000] =	vst v63  }
0x11a: {  	_ =	swait.ge [sflag:s16], $0x4000  }
0x11b: {  	[sflag:s16] =	ssyncset.done $0x0  }
0x11c: {  	[sflag:s16] =	ssyncadd.s32 $0xFFFFC000  }
0x11d: {  	[spmem:s2] =	stream.indirect.scatter.add.f32 [tilespmem:s14], [sflag:$0x3], $0x80, s24, s13, $0xb8;
	[tilespmem:$0x1D000] =	vst v63  }
0x11e: {  	_ =	swait.ge [sflag:s17], $0x4000  }
0x11f: {  	[sflag:s17] =	ssyncset.done $0x0  }
0x120: {  	[sflag:s17] =	ssyncadd.s32 $0xFFFFC000  }
0x121: {  	[spmem:s2] =	stream.indirect.scatter.add.f32 [tilespmem:s15], [sflag:$0x4], $0x80, s25, s13, $0xb8;
	[tilespmem:$0x1D000] =	vst v63  }
0x122: {  	_ =	swait.ge [sflag:s18], $0x4000  }
0x123: {  	[sflag:s18] =	ssyncset.done $0x0  }
0x124: {  	[sflag:s18] =	ssyncadd.s32 $0xFFFFC000  }
0x125: {  	_ =	swait.ge [sflag:s19], $0x4000  }
0x126: {  	[sflag:s19] =	ssyncset.done $0x0  }
0x127: {  	[sflag:s19] =	ssyncadd.s32 $0xFFFFC000  }
0x128: {  	[tilespmem:s14], [sflag:$0x1] =	stream.indirect.gather [hbm4b:s4+s13], $0x80, s26, s13, $0xb8;
	[tilespmem:$0x1D000] =	vst v63  }
0x129: {  	_ = 	snop  }
0x12a: {  	[tilespmem:s15], [sflag:$0x2] =	stream.indirect.gather [hbm4b:s4+s13], $0x80, s28, s13, $0xb8;
	[tilespmem:$0x1D000] =	vst v63  }
0x12b: {  	_ =	swait.ge [sflag:s16], $0x4000  }
0x12c: {  	[sflag:s16] =	ssyncset.done $0x0  }
0x12d: {  	[sflag:s16] =	ssyncadd.s32 $0xFFFFC000  }
0x12e: {  	[spmem:s2] =	stream.indirect.scatter.add.f32 [tilespmem:s14], [sflag:$0x3], $0x80, s29, s13, $0xb8;
	[tilespmem:$0x1D000] =	vst v63  }
0x12f: {  	_ =	swait.ge [sflag:s17], $0x4000  }
0x130: {  	[sflag:s17] =	ssyncset.done $0x0  }
0x131: {  	[sflag:s17] =	ssyncadd.s32 $0xFFFFC000  }
0x132: {  	[spmem:s2] =	stream.indirect.scatter.add.f32 [tilespmem:s15], [sflag:$0x4], $0x80, s30, s13, $0xb8;
	[tilespmem:$0x1D000] =	vst v63  }
0x133: {  	_ =	swait.ge [sflag:s18], $0x4000  }
0x134: {  	[sflag:s18] =	ssyncset.done $0x0  }
0x135: {  	[sflag:s18] =	ssyncadd.s32 $0xFFFFC000  }
0x136: {  	_ =	swait.ge [sflag:s19], $0x4000  }
0x137: {  	[sflag:s19] =	ssyncset.done $0x0  }
0x138: {  	[sflag:s19] =	ssyncadd.s32 $0xFFFFC000  }
0x139: {  	[tilespmem:s14], [sflag:$0x1] =	stream.indirect.gather [hbm4b:s4+s13], $0x80, s31, s13, $0xb8;
	[tilespmem:$0x1D000] =	vst v63  }
0x13a: {  	_ = 	snop  }
0x13b: {  	[tilespmem:s15], [sflag:$0x2] =	stream.indirect.gather [hbm4b:s4+s13], $0x80, s1, s13, $0xb8;
	[tilespmem:$0x1D000] =	vst v63  }
0x13c: {  	_ =	swait.ge [sflag:s16], $0x4000  }
0x13d: {  	[sflag:s16] =	ssyncset.done $0x0  }
0x13e: {  	[sflag:s16] =	ssyncadd.s32 $0xFFFFC000  }
0x13f: {  	[spmem:s2] =	stream.indirect.scatter.add.f32 [tilespmem:s14], [sflag:$0x3], $0x80, s0, s13, $0xb8;
	[tilespmem:$0x1D000] =	vst v63  }
0x140: {  	_ =	swait.ge [sflag:s17], $0x4000  }
0x141: {  	[sflag:s17] =	ssyncset.done $0x0  }
0x142: {  	p0 =	sne.s32 s6, $0x400;
	[sflag:s17] =	ssyncadd.s32 $0xFFFFC000  }
0x143: {  	[spmem:s2] =	stream.indirect.scatter.add.f32 [tilespmem:s15], [sflag:$0x4], $0x80, s5, s13, $0xb8;
	[tilespmem:$0x1D000] =	vst v63  }
.Ltmp0:
0x144: {  	_ =	swait.ge [sflag:s18], $0x4000;
	(pc) =	sbr.rel @p0 .LBB2_2-.Ltmp0, $4  }
0x145: {  	[sflag:s18] =	ssyncset.done $0x0  }
0x146: {  	[sflag:s18] =	ssyncadd.s32 $0xFFFFC000  }
0x147: {  	_ =	swait.ge [sflag:s19], $0x4000  }
0x148: {  	s6 =	sadd.s32 $0x100, s6;
	s9 =	rddreg [dreg:$0x5];
	[sflag:s19] =	ssyncset.done $0x0  }
0x149: {  	[sflag:s19] =	ssyncadd.s32 $0xFFFFC000;
	s6 =	sadd.s32 s8, s9  }
0x14a: {  	[tilespmem:s11], [sflag:$0x5] =	stream.linear.gather [hbm4b:s6+s3], $0x800, $0x38;
	[tilespmem:$0x1D000] =	vst v63  }
0x14b: {  	_ =	swait.ge [sflag:s10], $0x800  }
0x14c: {  	s9 =	rddreg [dreg:$0x4];
	[sflag:s10] =	ssyncset.done $0x0  }
0x14d: {  	[sflag:s10] =	ssyncadd.s32 $0xFFFFF800;
	s6 =	sadd.s32 s8, s9  }
0x14e: {  	[tilespmem:s12], [sflag:$0x5] =	stream.linear.gather [hbm4b:s6+s3], $0x800, $0x38;
	[tilespmem:$0x1D000] =	vst v63  }
0x14f: {  	_ =	swait.ge [sflag:s10], $0x800  }
0x150: {  	[sflag:s10] =	ssyncset.done $0x0  }
0x151: {  	[sflag:s10] =	ssyncadd.s32 $0xFFFFF800  }
0x152: {  	[tilespmem:s14], [sflag:$0x1] =	stream.indirect.gather [hbm4b:s4+s13], $0x80, s11, s13, $0xb8;
	[tilespmem:$0x1D000] =	vst v63  }
0x153: {  	s7 =	rddreg [dreg:$0x6]  }
0x154: {  	[tilespmem:s15], [sflag:$0x2] =	stream.indirect.gather [hbm4b:s4+s13], $0x80, s7, s13, $0xb8;
	[tilespmem:$0x1D000] =	vst v63  }
0x155: {  	_ =	swait.ge [sflag:s16], $0x4000  }
0x156: {  	[sflag:s16] =	ssyncset.done $0x0  }
0x157: {  	[sflag:s16] =	ssyncadd.s32 $0xFFFFC000  }
0x158: {  	[spmem:s2] =	stream.indirect.scatter.add.f32 [tilespmem:s14], [sflag:$0x3], $0x80, s12, s13, $0xb8;
	[tilespmem:$0x1D000] =	vst v63  }
0x159: {  	_ =	swait.ge [sflag:s17], $0x4000  }
0x15a: {  	[sflag:s17] =	ssyncset.done $0x0  }
0x15b: {  	s8 =	rddreg [dreg:$0x7];
	[sflag:s17] =	ssyncadd.s32 $0xFFFFC000  }
0x15c: {  	[spmem:s2] =	stream.indirect.scatter.add.f32 [tilespmem:s15], [sflag:$0x4], $0x80, s8, s13, $0xb8;
	[tilespmem:$0x1D000] =	vst v63  }
0x15d: {  	_ =	swait.ge [sflag:s18], $0x4000  }
0x15e: {  	[sflag:s18] =	ssyncset.done $0x0  }
0x15f: {  	[sflag:s18] =	ssyncadd.s32 $0xFFFFC000  }
0x160: {  	_ =	swait.ge [sflag:s19], $0x4000  }
0x161: {  	[sflag:s19] =	ssyncset.done $0x0  }
0x162: {  	s9 =	rddreg [dreg:$0x8];
	[sflag:s19] =	ssyncadd.s32 $0xFFFFC000  }
0x163: {  	[tilespmem:s14], [sflag:$0x1] =	stream.indirect.gather [hbm4b:s4+s13], $0x80, s9, s13, $0xb8;
	[tilespmem:$0x1D000] =	vst v63  }
0x164: {  	s7 =	rddreg [dreg:$0x9]  }
0x165: {  	[tilespmem:s15], [sflag:$0x2] =	stream.indirect.gather [hbm4b:s4+s13], $0x80, s7, s13, $0xb8;
	[tilespmem:$0x1D000] =	vst v63  }
0x166: {  	_ =	swait.ge [sflag:s16], $0x4000  }
0x167: {  	[sflag:s16] =	ssyncset.done $0x0  }
0x168: {  	s8 =	rddreg [dreg:$0xa];
	[sflag:s16] =	ssyncadd.s32 $0xFFFFC000  }
0x169: {  	[spmem:s2] =	stream.indirect.scatter.add.f32 [tilespmem:s14], [sflag:$0x3], $0x80, s8, s13, $0xb8;
	[tilespmem:$0x1D000] =	vst v63  }
0x16a: {  	_ =	swait.ge [sflag:s17], $0x4000  }
0x16b: {  	[sflag:s17] =	ssyncset.done $0x0  }
0x16c: {  	s9 =	rddreg [dreg:$0xb];
	[sflag:s17] =	ssyncadd.s32 $0xFFFFC000  }
0x16d: {  	[spmem:s2] =	stream.indirect.scatter.add.f32 [tilespmem:s15], [sflag:$0x4], $0x80, s9, s13, $0xb8;
	[tilespmem:$0x1D000] =	vst v63  }
0x16e: {  	_ =	swait.ge [sflag:s18], $0x4000  }
0x16f: {  	[sflag:s18] =	ssyncset.done $0x0  }
0x170: {  	[sflag:s18] =	ssyncadd.s32 $0xFFFFC000  }
0x171: {  	_ =	swait.ge [sflag:s19], $0x4000  }
0x172: {  	[sflag:s19] =	ssyncset.done $0x0  }
0x173: {  	s7 =	rddreg [dreg:$0xc];
	[sflag:s19] =	ssyncadd.s32 $0xFFFFC000  }
0x174: {  	[tilespmem:s14], [sflag:$0x1] =	stream.indirect.gather [hbm4b:s4+s13], $0x80, s7, s13, $0xb8;
	[tilespmem:$0x1D000] =	vst v63  }
0x175: {  	s8 =	rddreg [dreg:$0xd]  }
0x176: {  	[tilespmem:s15], [sflag:$0x2] =	stream.indirect.gather [hbm4b:s4+s13], $0x80, s8, s13, $0xb8;
	[tilespmem:$0x1D000] =	vst v63  }
0x177: {  	_ =	swait.ge [sflag:s16], $0x4000  }
0x178: {  	[sflag:s16] =	ssyncset.done $0x0  }
0x179: {  	s9 =	rddreg [dreg:$0xe];
	[sflag:s16] =	ssyncadd.s32 $0xFFFFC000  }
0x17a: {  	[spmem:s2] =	stream.indirect.scatter.add.f32 [tilespmem:s14], [sflag:$0x3], $0x80, s9, s13, $0xb8;
	[tilespmem:$0x1D000] =	vst v63  }
0x17b: {  	_ =	swait.ge [sflag:s17], $0x4000  }
0x17c: {  	[sflag:s17] =	ssyncset.done $0x0  }
0x17d: {  	s7 =	rddreg [dreg:$0xf];
	[sflag:s17] =	ssyncadd.s32 $0xFFFFC000  }
0x17e: {  	[spmem:s2] =	stream.indirect.scatter.add.f32 [tilespmem:s15], [sflag:$0x4], $0x80, s7, s13, $0xb8;
	[tilespmem:$0x1D000] =	vst v63  }
0x17f: {  	_ =	swait.ge [sflag:s18], $0x4000  }
0x180: {  	[sflag:s18] =	ssyncset.done $0x0  }
0x181: {  	[sflag:s18] =	ssyncadd.s32 $0xFFFFC000  }
0x182: {  	_ =	swait.ge [sflag:s19], $0x4000  }
0x183: {  	[sflag:s19] =	ssyncset.done $0x0  }
0x184: {  	s8 =	rddreg [dreg:$0x10];
	[sflag:s19] =	ssyncadd.s32 $0xFFFFC000  }
0x185: {  	[tilespmem:s14], [sflag:$0x1] =	stream.indirect.gather [hbm4b:s4+s13], $0x80, s8, s13, $0xb8;
	[tilespmem:$0x1D000] =	vst v63  }
0x186: {  	s9 =	rddreg [dreg:$0x11]  }
0x187: {  	[tilespmem:s15], [sflag:$0x2] =	stream.indirect.gather [hbm4b:s4+s13], $0x80, s9, s13, $0xb8;
	[tilespmem:$0x1D000] =	vst v63  }
0x188: {  	_ =	swait.ge [sflag:s16], $0x4000  }
0x189: {  	[sflag:s16] =	ssyncset.done $0x0  }
0x18a: {  	s8 =	rddreg [dreg:$0x12];
	[sflag:s16] =	ssyncadd.s32 $0xFFFFC000  }
0x18b: {  	[spmem:s2] =	stream.indirect.scatter.add.f32 [tilespmem:s14], [sflag:$0x3], $0x80, s8, s13, $0xb8;
	[tilespmem:$0x1D000] =	vst v63  }
0x18c: {  	_ =	swait.ge [sflag:s17], $0x4000  }
0x18d: {  	[sflag:s17] =	ssyncset.done $0x0  }
0x18e: {  	s9 =	rddreg [dreg:$0x13];
	[sflag:s17] =	ssyncadd.s32 $0xFFFFC000  }
0x18f: {  	[spmem:s2] =	stream.indirect.scatter.add.f32 [tilespmem:s15], [sflag:$0x4], $0x80, s9, s13, $0xb8;
	[tilespmem:$0x1D000] =	vst v63  }
0x190: {  	_ =	swait.ge [sflag:s18], $0x4000  }
0x191: {  	[sflag:s18] =	ssyncset.done $0x0  }
0x192: {  	[sflag:s18] =	ssyncadd.s32 $0xFFFFC000  }
0x193: {  	_ =	swait.ge [sflag:s19], $0x4000  }
0x194: {  	[sflag:s19] =	ssyncset.done $0x0  }
0x195: {  	s7 =	rddreg [dreg:$0x14];
	[sflag:s19] =	ssyncadd.s32 $0xFFFFC000  }
0x196: {  	[tilespmem:s14], [sflag:$0x1] =	stream.indirect.gather [hbm4b:s4+s13], $0x80, s7, s13, $0xb8;
	[tilespmem:$0x1D000] =	vst v63  }
0x197: {  	s8 =	rddreg [dreg:$0x15]  }
0x198: {  	[tilespmem:s15], [sflag:$0x2] =	stream.indirect.gather [hbm4b:s4+s13], $0x80, s8, s13, $0xb8;
	[tilespmem:$0x1D000] =	vst v63  }
0x199: {  	_ =	swait.ge [sflag:s16], $0x4000  }
0x19a: {  	[sflag:s16] =	ssyncset.done $0x0  }
0x19b: {  	[sflag:s16] =	ssyncadd.s32 $0xFFFFC000  }
0x19c: {  	[spmem:s2] =	stream.indirect.scatter.add.f32 [tilespmem:s14], [sflag:$0x3], $0x80, s20, s13, $0xb8;
	[tilespmem:$0x1D000] =	vst v63  }
0x19d: {  	_ =	swait.ge [sflag:s17], $0x4000  }
0x19e: {  	[sflag:s17] =	ssyncset.done $0x0  }
0x19f: {  	[sflag:s17] =	ssyncadd.s32 $0xFFFFC000  }
0x1a0: {  	[spmem:s2] =	stream.indirect.scatter.add.f32 [tilespmem:s15], [sflag:$0x4], $0x80, s21, s13, $0xb8;
	[tilespmem:$0x1D000] =	vst v63  }
0x1a1: {  	_ =	swait.ge [sflag:s18], $0x4000  }
0x1a2: {  	[sflag:s18] =	ssyncset.done $0x0  }
0x1a3: {  	[sflag:s18] =	ssyncadd.s32 $0xFFFFC000  }
0x1a4: {  	_ =	swait.ge [sflag:s19], $0x4000  }
0x1a5: {  	[sflag:s19] =	ssyncset.done $0x0  }
0x1a6: {  	[sflag:s19] =	ssyncadd.s32 $0xFFFFC000  }
0x1a7: {  	[tilespmem:s14], [sflag:$0x1] =	stream.indirect.gather [hbm4b:s4+s13], $0x80, s22, s13, $0xb8;
	[tilespmem:$0x1D000] =	vst v63  }
0x1a8: {  	_ = 	snop  }
0x1a9: {  	[tilespmem:s15], [sflag:$0x2] =	stream.indirect.gather [hbm4b:s4+s13], $0x80, s23, s13, $0xb8;
	[tilespmem:$0x1D000] =	vst v63  }
0x1aa: {  	_ =	swait.ge [sflag:s16], $0x4000  }
0x1ab: {  	[sflag:s16] =	ssyncset.done $0x0  }
0x1ac: {  	[sflag:s16] =	ssyncadd.s32 $0xFFFFC000  }
0x1ad: {  	[spmem:s2] =	stream.indirect.scatter.add.f32 [tilespmem:s14], [sflag:$0x3], $0x80, s24, s13, $0xb8;
	[tilespmem:$0x1D000] =	vst v63  }
0x1ae: {  	_ =	swait.ge [sflag:s17], $0x4000  }
0x1af: {  	[sflag:s17] =	ssyncset.done $0x0  }
0x1b0: {  	[sflag:s17] =	ssyncadd.s32 $0xFFFFC000  }
0x1b1: {  	[spmem:s2] =	stream.indirect.scatter.add.f32 [tilespmem:s15], [sflag:$0x4], $0x80, s25, s13, $0xb8;
	[tilespmem:$0x1D000] =	vst v63  }
0x1b2: {  	_ =	swait.ge [sflag:s18], $0x4000  }
0x1b3: {  	[sflag:s18] =	ssyncset.done $0x0  }
0x1b4: {  	[sflag:s18] =	ssyncadd.s32 $0xFFFFC000  }
0x1b5: {  	_ =	swait.ge [sflag:s19], $0x4000  }
0x1b6: {  	[sflag:s19] =	ssyncset.done $0x0  }
0x1b7: {  	[sflag:s19] =	ssyncadd.s32 $0xFFFFC000  }
0x1b8: {  	[tilespmem:s14], [sflag:$0x1] =	stream.indirect.gather [hbm4b:s4+s13], $0x80, s26, s13, $0xb8;
	[tilespmem:$0x1D000] =	vst v63  }
0x1b9: {  	_ = 	snop  }
0x1ba: {  	[tilespmem:s15], [sflag:$0x2] =	stream.indirect.gather [hbm4b:s4+s13], $0x80, s28, s13, $0xb8;
	[tilespmem:$0x1D000] =	vst v63  }
0x1bb: {  	_ =	swait.ge [sflag:s16], $0x4000  }
0x1bc: {  	[sflag:s16] =	ssyncset.done $0x0  }
0x1bd: {  	[sflag:s16] =	ssyncadd.s32 $0xFFFFC000  }
0x1be: {  	[spmem:s2] =	stream.indirect.scatter.add.f32 [tilespmem:s14], [sflag:$0x3], $0x80, s29, s13, $0xb8;
	[tilespmem:$0x1D000] =	vst v63  }
0x1bf: {  	_ =	swait.ge [sflag:s17], $0x4000  }
0x1c0: {  	[sflag:s17] =	ssyncset.done $0x0  }
0x1c1: {  	[sflag:s17] =	ssyncadd.s32 $0xFFFFC000  }
0x1c2: {  	[spmem:s2] =	stream.indirect.scatter.add.f32 [tilespmem:s15], [sflag:$0x4], $0x80, s30, s13, $0xb8;
	[tilespmem:$0x1D000] =	vst v63  }
0x1c3: {  	_ =	swait.ge [sflag:s18], $0x4000  }
0x1c4: {  	[sflag:s18] =	ssyncset.done $0x0  }
0x1c5: {  	[sflag:s18] =	ssyncadd.s32 $0xFFFFC000  }
0x1c6: {  	_ =	swait.ge [sflag:s19], $0x4000  }
0x1c7: {  	[sflag:s19] =	ssyncset.done $0x0  }
0x1c8: {  	[sflag:s19] =	ssyncadd.s32 $0xFFFFC000  }
0x1c9: {  	[tilespmem:s14], [sflag:$0x1] =	stream.indirect.gather [hbm4b:s4+s13], $0x80, s31, s13, $0xb8;
	[tilespmem:$0x1D000] =	vst v63  }
0x1ca: {  	_ = 	snop  }
0x1cb: {  	[tilespmem:s15], [sflag:$0x2] =	stream.indirect.gather [hbm4b:s4+s13], $0x80, s1, s13, $0xb8;
	[tilespmem:$0x1D000] =	vst v63  }
0x1cc: {  	_ =	swait.ge [sflag:s16], $0x4000  }
0x1cd: {  	[sflag:s16] =	ssyncset.done $0x0  }
0x1ce: {  	[sflag:s16] =	ssyncadd.s32 $0xFFFFC000  }
0x1cf: {  	[spmem:s2] =	stream.indirect.scatter.add.f32 [tilespmem:s14], [sflag:$0x3], $0x80, s0, s13, $0xb8;
	[tilespmem:$0x1D000] =	vst v63  }
0x1d0: {  	_ =	swait.ge [sflag:s17], $0x4000  }
0x1d1: {  	[sflag:s17] =	ssyncset.done $0x0  }
0x1d2: {  	[sflag:s17] =	ssyncadd.s32 $0xFFFFC000  }
0x1d3: {  	[spmem:s2] =	stream.indirect.scatter.add.f32 [tilespmem:s15], [sflag:$0x4], $0x80, s5, s13, $0xb8;
	[tilespmem:$0x1D000] =	vst v63  }
0x1d4: {  	_ =	swait.ge [sflag:s18], $0x4000  }
0x1d5: {  	[sflag:s18] =	ssyncset.done $0x0  }
0x1d6: {  	[sflag:s18] =	ssyncadd.s32 $0xFFFFC000  }
0x1d7: {  	_ =	swait.ge [sflag:s19], $0x4000  }
0x1d8: {  	[sflag:s19] =	ssyncset.done $0x0  }
0x1d9: {  	[sflag:s19] =	ssyncadd.s32 $0xFFFFC000  }
0x1da: {  	[bflag:$0x0] =	sbarrier.arrive $0xFFFF  }
0x1db: {  	s7 =	rddreg [dreg:$0x17]  }
0x1dc: {  	s9 =	rddreg [dreg:$0x18]  }
0x1dd: {  	s8 =	rddreg [dreg:$0x1a]  }
0x1de: {  	[hbm:s9], [sflag:s7] =	dma.local [spmem:s8], $0x2800  }
0x1df: {  	_ =	swait.ge [sflag:s10], $0x2800  }
0x1e0: {  	s6 =	rddreg [dreg:$0x1b]  }
0x1e1: {  	s9 =	sadd.s32 $0x1, s6;
	s6 =	rddreg [dreg:$0x19]  }
0x1e2: {  	p0 =	sne.s32 s9, s6  }
.Ltmp1:
0x1e3: {  	_ = 	snop;
	(pc) =	sbr.rel @p0 .LBB2_1-.Ltmp1, $3  }
0x1e4: {  	_ =	sdelay $0x1  }
0x1e5: {  	[sflag:s10] =	ssyncset.done $0x0  }
0x1e6: {  	[sflag:s10] =	ssyncadd.s32 $0xFFFFD800  }
0x1e7: {  	_ =	sfence.sel $0x180000  }
0x1e8: {  	[bflag:$0x0] =	sbarrier.arrive $0xFFFF  }
0x1e9: {  	_ =	strace $0x9000004A  }
0x1ea: {  	s0 =	stileid.u32;
	[bflag:$0x2] =	sbarrier.arrive $0xFFFF  }
0x1eb: {  	p0 =	sne.s32 s0, $0x0;
	s0 =	rddreg [dreg:$0x3]  }
0x1ec: {  	s0 =	sadd.s32 @!p0 $0x100000, s0  }
0x1ed: {  	[sflag:s0] =	ssyncadd.tile.s32 @!p0 $0x1;
	_ =	shalt  }
.Lfunc_end2:
_tile_overlayer_lowered:
.L_overlay_start_2:
0x1ee: {  	(tag) =	ssettag $0x2  }
0x1ef: {  	s0 =	rddreg [dreg:$0x0];
	s2 =	stileid.u32  }
0x1f0: {  	s1 =	rddreg [dreg:$0x1];
	p0 =	sne.s32 s2, $0x0  }
0x1f1: {  	s3 =	rddreg [dreg:$0x2];
	[bflag:$0x3] =	sbarrier.arrive $0xFFFF;
	s2 =	simm.s32 @!p0 $0x1C05  }
0x1f2: {  	[timem:s3], [sflag:s2] =	dma.local @!p0 [hbm:s0], s1  }
0x1f3: {  	s0 =	simm.s32 @!p0 $0x5  }
0x1f4: {  	_ =	swait.ge @!p0 [sflag:s0], s1  }
0x1f5: {  	s1 =	ssub.s32 @!p0 $0x0, s1;
	[sflag:s0] =	ssyncset.done @!p0 $0x0  }
0x1f6: {  	[sflag:s0] =	ssyncadd.s32 @!p0 s1  }
0x1f7: {  	[bflag:$0x3] =	sbarrier.arrive $0xFFFF  }
0x1f8: {  	_ =	shalt  }

</sc_bundles>
